<compile_context>
chip_gen: v7x
topology: tpu7x:2x2x1
jax: 0.10.2.dev20260603
libtpu: 0.0.44.dev20260713+nightly
codegen_flags: <defaults>
</compile_context>

<pallas_src>
import functools

import jax
import jax.numpy as jnp
from jax import lax
from jax.experimental import pallas as pl
from jax.experimental.pallas import tpu as pltpu
from jax.experimental.pallas import tpu_sc as plsc

_INFO = plsc.get_sparse_core_info()
_NC, _NS = _INFO.num_cores, _INFO.num_subcores
_NW = _NC * _NS

_CHUNK = 32
_NBUF = 3


def _sc_gather(table, idx, n, d, nchunk):
    per_w = nchunk * _CHUNK
    seq = idx.shape[1]
    w_per_row = seq // per_w
    mesh = plsc.VectorSubcoreMesh(core_axis_name="c", subcore_axis_name="s")

    @functools.partial(
        pl.kernel,
        out_type=jax.ShapeDtypeStruct((n, d), jnp.float32),
        mesh=mesh,
        scratch_types=[
            pltpu.VMEM((per_w,), jnp.int32),
            pltpu.VMEM((96, d), jnp.float32),
            pltpu.SemaphoreType.DMA,
            pltpu.SemaphoreType.DMA,
        ],
    )
    def body(table_hbm, idx_hbm, out_hbm, idx_v, rows_v, gsem, ssem):
        wid = lax.axis_index("s") * _NC + lax.axis_index("c")
        base = wid * per_w
        row = wid // w_per_row
        off = (wid % w_per_row) * per_w
        pltpu.sync_copy(idx_hbm.at[row, pl.ds(off, per_w)], idx_v)

        def gather64(c):
            return pltpu.async_copy(
                table_hbm.at[idx_v.at[pl.ds(c * 64, 64)]],
                rows_v.at[pl.ds(0, 64)], gsem)

        g = [None] * 8
        for c in range(8):
            g[c] = gather64(c)
        for c in range(8):
            g[c].wait()
        pltpu.async_copy(
            rows_v.at[pl.ds(0, _CHUNK)],
            out_hbm.at[pl.ds(base, _CHUNK)], ssem).wait()

    return body(table, idx)


def kernel(input_pos_tensors, table):
    b, s = input_pos_tensors.shape
    v, d = table.shape
    n = b * s
    assert n % (_NW * _CHUNK) == 0
    nchunk = n // (_NW * _CHUNK)
    assert s % (nchunk * _CHUNK) == 0
    idx = input_pos_tensors.astype(jnp.int32)
    out = _sc_gather(table, idx, n, d, nchunk)
    return out.reshape(b, s, d)

# --- scband reference (transcript-rebuilt; emitter-appended) ---
"""Pipeline reference for scband-sinusoid-positional-embedding-57896159150438 (READ-ONLY COPY).

The authoritative reference and input builder live on the scoring server;
editing this copy changes nothing except your own understanding.
"""

import jax, jax.numpy as jnp
import numpy as np

MAX_LEN = 4096
EMBED_DIM = 1024
BATCH = 4
SEQ_LEN = 4096


def _get_sinusoid_encoding_table(n_position, d_hid, padding_idx=0):
    # Faithful to the standard get_sinusoid_encoding_table used with
    # nn.Embedding.from_pretrained(..., freeze=True).
    pos = np.arange(n_position, dtype=np.float64)[:, None]          # [P, 1]
    j = np.arange(d_hid, dtype=np.float64)[None, :]                 # [1, D]
    angle = pos / np.power(10000.0, 2.0 * np.floor(j / 2.0) / d_hid)  # [P, D]
    table = np.zeros((n_position, d_hid), dtype=np.float64)
    table[:, 0::2] = np.sin(angle[:, 0::2])  # even dims -> sin
    table[:, 1::2] = np.cos(angle[:, 1::2])  # odd dims  -> cos
    if padding_idx is not None:
        table[padding_idx] = 0.0
    return jnp.asarray(table, dtype=jnp.float32)


def setup_inputs(seed: int = 0) -> dict:
    key = jax.random.key(seed)
    input_pos_tensors = jax.random.randint(key, (BATCH, SEQ_LEN), 0, MAX_LEN, dtype=jnp.int64 if jax.config.read('jax_enable_x64') else jnp.int32)
    table = _get_sinusoid_encoding_table(MAX_LEN, EMBED_DIM, padding_idx=0)
    return {"input_pos_tensors": input_pos_tensors, "table": table}


def reference(input_pos_tensors, table):
    # nn.Embedding lookup on the frozen sinusoid table -> gather rows.
    return jnp.take(table, input_pos_tensors, axis=0)

if __name__ == "__main__":
    import jax
    _d = setup_inputs()
    print(jax.jit(kernel)(*tuple(_d.values())))

</pallas_src>

<mosaic_0001>
#map = affine_map<(d0, d1) -> (0, 0)>
module attributes {stable_mosaic.version = 14 : i64} {
  func.func @body(%arg0: i32, %arg1: i32, %arg2: memref<4096x1024xf32, #tpu.memory_space<hbm>>, %arg3: memref<4x4096xi32, #tpu.memory_space<hbm>>, %arg4: memref<16384x1024xf32, #tpu.memory_space<hbm>>, %arg5: memref<512xi32, #tpu.memory_space<vmem>>, %arg6: memref<96x1024xf32, #tpu.memory_space<vmem>>, %arg7: memref<!tpu.dma_semaphore, #tpu.memory_space<semaphore_mem>>, %arg8: memref<!tpu.dma_semaphore, #tpu.memory_space<semaphore_mem>>) attributes {dimension_semantics = [#tpu.dimension_semantics<core_parallel>, #tpu.dimension_semantics<subcore_parallel>], iteration_bounds = array<i64: 2, 16>, scalar_prefetch = 0 : i64, scratch_operands = 4 : i64, tpu.core_type = #tpu.core_type<sc_vector_subcore>, window_params = [{transform_indices = #map}, {transform_indices = #map}, {transform_indices = #map}]} {
    %mul3A = arith.constant 2 : i32
    %mul3A_0 = arith.muli %arg1, %mul3A : i32
    %add3A = arith.addi %mul3A_0, %arg0 : i32
    %mul3A_1 = arith.constant 512 : i32
    %mul3A_2 = arith.muli %add3A, %mul3A_1 : i32
    %jit3A = arith.constant 8 : i32
    %div3A = arith.divsi %add3A, %jit3A : i32
    %sign3A = arith.constant 0 : i32
    %sign3A_3 = arith.cmpi sgt, %add3A, %sign3A : i32
    %sign3A_4 = arith.extui %sign3A_3 : i1 to i32
    %sign3A_5 = arith.constant 0 : i32
    %sign3A_6 = arith.cmpi slt, %add3A, %sign3A_5 : i32
    %sign3A_7 = arith.extui %sign3A_6 : i1 to i32
    %sign3A_8 = arith.subi %sign3A_4, %sign3A_7 : i32
    %sign3A_9 = arith.constant 0 : i32
    %sign3A_10 = arith.cmpi sgt, %jit3A, %sign3A_9 : i32
    %sign3A_11 = arith.extui %sign3A_10 : i1 to i32
    %sign3A_12 = arith.constant 0 : i32
    %sign3A_13 = arith.cmpi slt, %jit3A, %sign3A_12 : i32
    %sign3A_14 = arith.extui %sign3A_13 : i1 to i32
    %sign3A_15 = arith.subi %sign3A_11, %sign3A_14 : i32
    %ne3A = arith.cmpi ne, %sign3A_8, %sign3A_15 : i32
    %rem3A = arith.remsi %add3A, %jit3A : i32
    %ne3A_16 = arith.constant 0 : i32
    %ne3A_17 = arith.cmpi ne, %rem3A, %ne3A_16 : i32
    %and3A = arith.andi %ne3A, %ne3A_17 : i1
    %sub3A = arith.constant 1 : i32
    %sub3A_18 = arith.subi %div3A, %sub3A : i32
    %select_n3A = arith.select %and3A, %sub3A_18, %div3A : i32
    %jit3A_19 = arith.constant 8 : i32
    %eq3A = arith.constant 0 : i32
    %eq3A_20 = arith.cmpi eq, %jit3A_19, %eq3A : i32
    %jit3A_21 = arith.constant 1 : i32
    %select_n3A_22 = arith.select %eq3A_20, %jit3A_21, %jit3A_19 : i32
    %rem3A_23 = arith.remsi %add3A, %select_n3A_22 : i32
    %ne3A_24 = arith.constant 0 : i32
    %ne3A_25 = arith.cmpi ne, %rem3A_23, %ne3A_24 : i32
    %lt3A = arith.constant 0 : i32
    %lt3A_26 = arith.cmpi slt, %rem3A_23, %lt3A : i32
    %lt3A_27 = arith.constant 0 : i32
    %lt3A_28 = arith.cmpi slt, %select_n3A_22, %lt3A_27 : i32
    %ne3A_29 = arith.xori %lt3A_26, %lt3A_28 : i1
    %and3A_30 = arith.andi %ne3A_29, %ne3A_25 : i1
    %add3A_31 = arith.addi %rem3A_23, %select_n3A_22 : i32
    %select_n3A_32 = arith.select %and3A_30, %add3A_31, %rem3A_23 : i32
    %mul3A_33 = arith.constant 512 : i32
    %mul3A_34 = arith.muli %select_n3A_32, %mul3A_33 : i32
    "tpu.region"() ({
      %run_scoped3A = tpu.sem_alloc : memref<!tpu.dma_semaphore, #tpu.memory_space<semaphore_mem>>
      %dma_start3A_181 = tpu.memref_slice %arg3[%select_n3A, %mul3A_34] : memref<4x4096xi32, #tpu.memory_space<hbm>> -> memref<1x512xi32, #tpu.memory_space<hbm>>
      %dma_start3A_182 = tpu.memref_squeeze %dma_start3A_181 : memref<1x512xi32, #tpu.memory_space<hbm>> -> memref<512xi32, #tpu.memory_space<hbm>>
      %dma_start3A_183 = tpu.memref_slice %arg3[%select_n3A, %mul3A_34] : memref<4x4096xi32, #tpu.memory_space<hbm>> -> memref<1x512xi32, #tpu.memory_space<hbm>>
      %dma_start3A_184 = tpu.memref_squeeze %dma_start3A_183 : memref<1x512xi32, #tpu.memory_space<hbm>> -> memref<512xi32, #tpu.memory_space<hbm>>
      tpu.enqueue_dma source(%dma_start3A_184 : memref<512xi32, #tpu.memory_space<hbm>>) target(%arg5 : memref<512xi32, #tpu.memory_space<vmem>>) target_semaphore(%run_scoped3A : memref<!tpu.dma_semaphore, #tpu.memory_space<semaphore_mem>>)
      %dma_wait3A_185 = tpu.memref_slice %arg3[%select_n3A, %mul3A_34] : memref<4x4096xi32, #tpu.memory_space<hbm>> -> memref<1x512xi32, #tpu.memory_space<hbm>>
      %dma_wait3A_186 = tpu.memref_squeeze %dma_wait3A_185 : memref<1x512xi32, #tpu.memory_space<hbm>> -> memref<512xi32, #tpu.memory_space<hbm>>
      %dma_wait3A_187 = tpu.memref_slice %arg3[%select_n3A, %mul3A_34] : memref<4x4096xi32, #tpu.memory_space<hbm>> -> memref<1x512xi32, #tpu.memory_space<hbm>>
      %dma_wait3A_188 = tpu.memref_squeeze %dma_wait3A_187 : memref<1x512xi32, #tpu.memory_space<hbm>> -> memref<512xi32, #tpu.memory_space<hbm>>
      tpu.wait_dma2 semaphore(%run_scoped3A : memref<!tpu.dma_semaphore, #tpu.memory_space<semaphore_mem>>) src(%dma_wait3A_188 : memref<512xi32, #tpu.memory_space<hbm>>) dst(%arg5 : memref<512xi32, #tpu.memory_space<vmem>>)
      tpu.yield
    }) : () -> ()
    %dma_start3A = arith.constant 0 : i32
    %dma_start3A_35 = arith.constant 0 : i32
    %dma_start3A_36 = tpu.memref_slice %arg6[%dma_start3A, %dma_start3A_35] : memref<96x1024xf32, #tpu.memory_space<vmem>> -> memref<64x1024xf32, #tpu.memory_space<vmem>>
    %dma_start3A_37 = arith.constant 0 : i32
    %dma_start3A_38 = tpu.memref_slice %arg5[%dma_start3A_37] : memref<512xi32, #tpu.memory_space<vmem>> -> memref<64xi32, #tpu.memory_space<vmem>>
    %dma_start3A_39 = arith.constant 0 : i32
    %dma_start3A_40 = arith.constant 0 : i32
    %dma_start3A_41 = tpu.memref_slice %arg2[%dma_start3A_39, %dma_start3A_40] : memref<4096x1024xf32, #tpu.memory_space<hbm>> -> memref<4096x1024xf32, #tpu.memory_space<hbm>>
    tpu.enqueue_indirect_dma source(%dma_start3A_41 : memref<4096x1024xf32, #tpu.memory_space<hbm>>) target(%dma_start3A_36 : memref<64x1024xf32, #tpu.memory_space<vmem>>) offsets(%dma_start3A_38 : memref<64xi32, #tpu.memory_space<vmem>>) semaphore(%arg7 : memref<!tpu.dma_semaphore, #tpu.memory_space<semaphore_mem>>)
    %dma_start3A_42 = arith.constant 0 : i32
    %dma_start3A_43 = arith.constant 0 : i32
    %dma_start3A_44 = tpu.memref_slice %arg6[%dma_start3A_42, %dma_start3A_43] : memref<96x1024xf32, #tpu.memory_space<vmem>> -> memref<64x1024xf32, #tpu.memory_space<vmem>>
    %dma_start3A_45 = arith.constant 64 : i32
    %dma_start3A_46 = tpu.memref_slice %arg5[%dma_start3A_45] : memref<512xi32, #tpu.memory_space<vmem>> -> memref<64xi32, #tpu.memory_space<vmem>>
    %dma_start3A_47 = arith.constant 0 : i32
    %dma_start3A_48 = arith.constant 0 : i32
    %dma_start3A_49 = tpu.memref_slice %arg2[%dma_start3A_47, %dma_start3A_48] : memref<4096x1024xf32, #tpu.memory_space<hbm>> -> memref<4096x1024xf32, #tpu.memory_space<hbm>>
    tpu.enqueue_indirect_dma source(%dma_start3A_49 : memref<4096x1024xf32, #tpu.memory_space<hbm>>) target(%dma_start3A_44 : memref<64x1024xf32, #tpu.memory_space<vmem>>) offsets(%dma_start3A_46 : memref<64xi32, #tpu.memory_space<vmem>>) semaphore(%arg7 : memref<!tpu.dma_semaphore, #tpu.memory_space<semaphore_mem>>)
    %dma_start3A_50 = arith.constant 0 : i32
    %dma_start3A_51 = arith.constant 0 : i32
    %dma_start3A_52 = tpu.memref_slice %arg6[%dma_start3A_50, %dma_start3A_51] : memref<96x1024xf32, #tpu.memory_space<vmem>> -> memref<64x1024xf32, #tpu.memory_space<vmem>>
    %dma_start3A_53 = arith.constant 128 : i32
    %dma_start3A_54 = tpu.memref_slice %arg5[%dma_start3A_53] : memref<512xi32, #tpu.memory_space<vmem>> -> memref<64xi32, #tpu.memory_space<vmem>>
    %dma_start3A_55 = arith.constant 0 : i32
    %dma_start3A_56 = arith.constant 0 : i32
    %dma_start3A_57 = tpu.memref_slice %arg2[%dma_start3A_55, %dma_start3A_56] : memref<4096x1024xf32, #tpu.memory_space<hbm>> -> memref<4096x1024xf32, #tpu.memory_space<hbm>>
    tpu.enqueue_indirect_dma source(%dma_start3A_57 : memref<4096x1024xf32, #tpu.memory_space<hbm>>) target(%dma_start3A_52 : memref<64x1024xf32, #tpu.memory_space<vmem>>) offsets(%dma_start3A_54 : memref<64xi32, #tpu.memory_space<vmem>>) semaphore(%arg7 : memref<!tpu.dma_semaphore, #tpu.memory_space<semaphore_mem>>)
    %dma_start3A_58 = arith.constant 0 : i32
    %dma_start3A_59 = arith.constant 0 : i32
    %dma_start3A_60 = tpu.memref_slice %arg6[%dma_start3A_58, %dma_start3A_59] : memref<96x1024xf32, #tpu.memory_space<vmem>> -> memref<64x1024xf32, #tpu.memory_space<vmem>>
    %dma_start3A_61 = arith.constant 192 : i32
    %dma_start3A_62 = tpu.memref_slice %arg5[%dma_start3A_61] : memref<512xi32, #tpu.memory_space<vmem>> -> memref<64xi32, #tpu.memory_space<vmem>>
    %dma_start3A_63 = arith.constant 0 : i32
    %dma_start3A_64 = arith.constant 0 : i32
    %dma_start3A_65 = tpu.memref_slice %arg2[%dma_start3A_63, %dma_start3A_64] : memref<4096x1024xf32, #tpu.memory_space<hbm>> -> memref<4096x1024xf32, #tpu.memory_space<hbm>>
    tpu.enqueue_indirect_dma source(%dma_start3A_65 : memref<4096x1024xf32, #tpu.memory_space<hbm>>) target(%dma_start3A_60 : memref<64x1024xf32, #tpu.memory_space<vmem>>) offsets(%dma_start3A_62 : memref<64xi32, #tpu.memory_space<vmem>>) semaphore(%arg7 : memref<!tpu.dma_semaphore, #tpu.memory_space<semaphore_mem>>)
    %dma_start3A_66 = arith.constant 0 : i32
    %dma_start3A_67 = arith.constant 0 : i32
    %dma_start3A_68 = tpu.memref_slice %arg6[%dma_start3A_66, %dma_start3A_67] : memref<96x1024xf32, #tpu.memory_space<vmem>> -> memref<64x1024xf32, #tpu.memory_space<vmem>>
    %dma_start3A_69 = arith.constant 256 : i32
    %dma_start3A_70 = tpu.memref_slice %arg5[%dma_start3A_69] : memref<512xi32, #tpu.memory_space<vmem>> -> memref<64xi32, #tpu.memory_space<vmem>>
    %dma_start3A_71 = arith.constant 0 : i32
    %dma_start3A_72 = arith.constant 0 : i32
    %dma_start3A_73 = tpu.memref_slice %arg2[%dma_start3A_71, %dma_start3A_72] : memref<4096x1024xf32, #tpu.memory_space<hbm>> -> memref<4096x1024xf32, #tpu.memory_space<hbm>>
    tpu.enqueue_indirect_dma source(%dma_start3A_73 : memref<4096x1024xf32, #tpu.memory_space<hbm>>) target(%dma_start3A_68 : memref<64x1024xf32, #tpu.memory_space<vmem>>) offsets(%dma_start3A_70 : memref<64xi32, #tpu.memory_space<vmem>>) semaphore(%arg7 : memref<!tpu.dma_semaphore, #tpu.memory_space<semaphore_mem>>)
    %dma_start3A_74 = arith.constant 0 : i32
    %dma_start3A_75 = arith.constant 0 : i32
    %dma_start3A_76 = tpu.memref_slice %arg6[%dma_start3A_74, %dma_start3A_75] : memref<96x1024xf32, #tpu.memory_space<vmem>> -> memref<64x1024xf32, #tpu.memory_space<vmem>>
    %dma_start3A_77 = arith.constant 320 : i32
    %dma_start3A_78 = tpu.memref_slice %arg5[%dma_start3A_77] : memref<512xi32, #tpu.memory_space<vmem>> -> memref<64xi32, #tpu.memory_space<vmem>>
    %dma_start3A_79 = arith.constant 0 : i32
    %dma_start3A_80 = arith.constant 0 : i32
    %dma_start3A_81 = tpu.memref_slice %arg2[%dma_start3A_79, %dma_start3A_80] : memref<4096x1024xf32, #tpu.memory_space<hbm>> -> memref<4096x1024xf32, #tpu.memory_space<hbm>>
    tpu.enqueue_indirect_dma source(%dma_start3A_81 : memref<4096x1024xf32, #tpu.memory_space<hbm>>) target(%dma_start3A_76 : memref<64x1024xf32, #tpu.memory_space<vmem>>) offsets(%dma_start3A_78 : memref<64xi32, #tpu.memory_space<vmem>>) semaphore(%arg7 : memref<!tpu.dma_semaphore, #tpu.memory_space<semaphore_mem>>)
    %dma_start3A_82 = arith.constant 0 : i32
    %dma_start3A_83 = arith.constant 0 : i32
    %dma_start3A_84 = tpu.memref_slice %arg6[%dma_start3A_82, %dma_start3A_83] : memref<96x1024xf32, #tpu.memory_space<vmem>> -> memref<64x1024xf32, #tpu.memory_space<vmem>>
    %dma_start3A_85 = arith.constant 384 : i32
    %dma_start3A_86 = tpu.memref_slice %arg5[%dma_start3A_85] : memref<512xi32, #tpu.memory_space<vmem>> -> memref<64xi32, #tpu.memory_space<vmem>>
    %dma_start3A_87 = arith.constant 0 : i32
    %dma_start3A_88 = arith.constant 0 : i32
    %dma_start3A_89 = tpu.memref_slice %arg2[%dma_start3A_87, %dma_start3A_88] : memref<4096x1024xf32, #tpu.memory_space<hbm>> -> memref<4096x1024xf32, #tpu.memory_space<hbm>>
    tpu.enqueue_indirect_dma source(%dma_start3A_89 : memref<4096x1024xf32, #tpu.memory_space<hbm>>) target(%dma_start3A_84 : memref<64x1024xf32, #tpu.memory_space<vmem>>) offsets(%dma_start3A_86 : memref<64xi32, #tpu.memory_space<vmem>>) semaphore(%arg7 : memref<!tpu.dma_semaphore, #tpu.memory_space<semaphore_mem>>)
    %dma_start3A_90 = arith.constant 0 : i32
    %dma_start3A_91 = arith.constant 0 : i32
    %dma_start3A_92 = tpu.memref_slice %arg6[%dma_start3A_90, %dma_start3A_91] : memref<96x1024xf32, #tpu.memory_space<vmem>> -> memref<64x1024xf32, #tpu.memory_space<vmem>>
    %dma_start3A_93 = arith.constant 448 : i32
    %dma_start3A_94 = tpu.memref_slice %arg5[%dma_start3A_93] : memref<512xi32, #tpu.memory_space<vmem>> -> memref<64xi32, #tpu.memory_space<vmem>>
    %dma_start3A_95 = arith.constant 0 : i32
    %dma_start3A_96 = arith.constant 0 : i32
    %dma_start3A_97 = tpu.memref_slice %arg2[%dma_start3A_95, %dma_start3A_96] : memref<4096x1024xf32, #tpu.memory_space<hbm>> -> memref<4096x1024xf32, #tpu.memory_space<hbm>>
    tpu.enqueue_indirect_dma source(%dma_start3A_97 : memref<4096x1024xf32, #tpu.memory_space<hbm>>) target(%dma_start3A_92 : memref<64x1024xf32, #tpu.memory_space<vmem>>) offsets(%dma_start3A_94 : memref<64xi32, #tpu.memory_space<vmem>>) semaphore(%arg7 : memref<!tpu.dma_semaphore, #tpu.memory_space<semaphore_mem>>)
    %dma_wait3A = arith.constant 0 : i32
    %dma_wait3A_98 = arith.constant 0 : i32
    %dma_wait3A_99 = tpu.memref_slice %arg6[%dma_wait3A, %dma_wait3A_98] : memref<96x1024xf32, #tpu.memory_space<vmem>> -> memref<64x1024xf32, #tpu.memory_space<vmem>>
    %dma_wait3A_100 = arith.constant 0 : i32
    %dma_wait3A_101 = tpu.memref_slice %arg5[%dma_wait3A_100] : memref<512xi32, #tpu.memory_space<vmem>> -> memref<64xi32, #tpu.memory_space<vmem>>
    %dma_wait3A_102 = arith.constant 0 : i32
    %dma_wait3A_103 = arith.constant 0 : i32
    %dma_wait3A_104 = tpu.memref_slice %arg2[%dma_wait3A_102, %dma_wait3A_103] : memref<4096x1024xf32, #tpu.memory_space<hbm>> -> memref<4096x1024xf32, #tpu.memory_space<hbm>>
    tpu.wait_indirect_dma semaphore(%arg7 : memref<!tpu.dma_semaphore, #tpu.memory_space<semaphore_mem>>) src(%dma_wait3A_104 : memref<4096x1024xf32, #tpu.memory_space<hbm>>) dst(%dma_wait3A_99 : memref<64x1024xf32, #tpu.memory_space<vmem>>)
    %dma_wait3A_105 = arith.constant 0 : i32
    %dma_wait3A_106 = arith.constant 0 : i32
    %dma_wait3A_107 = tpu.memref_slice %arg6[%dma_wait3A_105, %dma_wait3A_106] : memref<96x1024xf32, #tpu.memory_space<vmem>> -> memref<64x1024xf32, #tpu.memory_space<vmem>>
    %dma_wait3A_108 = arith.constant 64 : i32
    %dma_wait3A_109 = tpu.memref_slice %arg5[%dma_wait3A_108] : memref<512xi32, #tpu.memory_space<vmem>> -> memref<64xi32, #tpu.memory_space<vmem>>
    %dma_wait3A_110 = arith.constant 0 : i32
    %dma_wait3A_111 = arith.constant 0 : i32
    %dma_wait3A_112 = tpu.memref_slice %arg2[%dma_wait3A_110, %dma_wait3A_111] : memref<4096x1024xf32, #tpu.memory_space<hbm>> -> memref<4096x1024xf32, #tpu.memory_space<hbm>>
    tpu.wait_indirect_dma semaphore(%arg7 : memref<!tpu.dma_semaphore, #tpu.memory_space<semaphore_mem>>) src(%dma_wait3A_112 : memref<4096x1024xf32, #tpu.memory_space<hbm>>) dst(%dma_wait3A_107 : memref<64x1024xf32, #tpu.memory_space<vmem>>)
    %dma_wait3A_113 = arith.constant 0 : i32
    %dma_wait3A_114 = arith.constant 0 : i32
    %dma_wait3A_115 = tpu.memref_slice %arg6[%dma_wait3A_113, %dma_wait3A_114] : memref<96x1024xf32, #tpu.memory_space<vmem>> -> memref<64x1024xf32, #tpu.memory_space<vmem>>
    %dma_wait3A_116 = arith.constant 128 : i32
    %dma_wait3A_117 = tpu.memref_slice %arg5[%dma_wait3A_116] : memref<512xi32, #tpu.memory_space<vmem>> -> memref<64xi32, #tpu.memory_space<vmem>>
    %dma_wait3A_118 = arith.constant 0 : i32
    %dma_wait3A_119 = arith.constant 0 : i32
    %dma_wait3A_120 = tpu.memref_slice %arg2[%dma_wait3A_118, %dma_wait3A_119] : memref<4096x1024xf32, #tpu.memory_space<hbm>> -> memref<4096x1024xf32, #tpu.memory_space<hbm>>
    tpu.wait_indirect_dma semaphore(%arg7 : memref<!tpu.dma_semaphore, #tpu.memory_space<semaphore_mem>>) src(%dma_wait3A_120 : memref<4096x1024xf32, #tpu.memory_space<hbm>>) dst(%dma_wait3A_115 : memref<64x1024xf32, #tpu.memory_space<vmem>>)
    %dma_wait3A_121 = arith.constant 0 : i32
    %dma_wait3A_122 = arith.constant 0 : i32
    %dma_wait3A_123 = tpu.memref_slice %arg6[%dma_wait3A_121, %dma_wait3A_122] : memref<96x1024xf32, #tpu.memory_space<vmem>> -> memref<64x1024xf32, #tpu.memory_space<vmem>>
    %dma_wait3A_124 = arith.constant 192 : i32
    %dma_wait3A_125 = tpu.memref_slice %arg5[%dma_wait3A_124] : memref<512xi32, #tpu.memory_space<vmem>> -> memref<64xi32, #tpu.memory_space<vmem>>
    %dma_wait3A_126 = arith.constant 0 : i32
    %dma_wait3A_127 = arith.constant 0 : i32
    %dma_wait3A_128 = tpu.memref_slice %arg2[%dma_wait3A_126, %dma_wait3A_127] : memref<4096x1024xf32, #tpu.memory_space<hbm>> -> memref<4096x1024xf32, #tpu.memory_space<hbm>>
    tpu.wait_indirect_dma semaphore(%arg7 : memref<!tpu.dma_semaphore, #tpu.memory_space<semaphore_mem>>) src(%dma_wait3A_128 : memref<4096x1024xf32, #tpu.memory_space<hbm>>) dst(%dma_wait3A_123 : memref<64x1024xf32, #tpu.memory_space<vmem>>)
    %dma_wait3A_129 = arith.constant 0 : i32
    %dma_wait3A_130 = arith.constant 0 : i32
    %dma_wait3A_131 = tpu.memref_slice %arg6[%dma_wait3A_129, %dma_wait3A_130] : memref<96x1024xf32, #tpu.memory_space<vmem>> -> memref<64x1024xf32, #tpu.memory_space<vmem>>
    %dma_wait3A_132 = arith.constant 256 : i32
    %dma_wait3A_133 = tpu.memref_slice %arg5[%dma_wait3A_132] : memref<512xi32, #tpu.memory_space<vmem>> -> memref<64xi32, #tpu.memory_space<vmem>>
    %dma_wait3A_134 = arith.constant 0 : i32
    %dma_wait3A_135 = arith.constant 0 : i32
    %dma_wait3A_136 = tpu.memref_slice %arg2[%dma_wait3A_134, %dma_wait3A_135] : memref<4096x1024xf32, #tpu.memory_space<hbm>> -> memref<4096x1024xf32, #tpu.memory_space<hbm>>
    tpu.wait_indirect_dma semaphore(%arg7 : memref<!tpu.dma_semaphore, #tpu.memory_space<semaphore_mem>>) src(%dma_wait3A_136 : memref<4096x1024xf32, #tpu.memory_space<hbm>>) dst(%dma_wait3A_131 : memref<64x1024xf32, #tpu.memory_space<vmem>>)
    %dma_wait3A_137 = arith.constant 0 : i32
    %dma_wait3A_138 = arith.constant 0 : i32
    %dma_wait3A_139 = tpu.memref_slice %arg6[%dma_wait3A_137, %dma_wait3A_138] : memref<96x1024xf32, #tpu.memory_space<vmem>> -> memref<64x1024xf32, #tpu.memory_space<vmem>>
    %dma_wait3A_140 = arith.constant 320 : i32
    %dma_wait3A_141 = tpu.memref_slice %arg5[%dma_wait3A_140] : memref<512xi32, #tpu.memory_space<vmem>> -> memref<64xi32, #tpu.memory_space<vmem>>
    %dma_wait3A_142 = arith.constant 0 : i32
    %dma_wait3A_143 = arith.constant 0 : i32
    %dma_wait3A_144 = tpu.memref_slice %arg2[%dma_wait3A_142, %dma_wait3A_143] : memref<4096x1024xf32, #tpu.memory_space<hbm>> -> memref<4096x1024xf32, #tpu.memory_space<hbm>>
    tpu.wait_indirect_dma semaphore(%arg7 : memref<!tpu.dma_semaphore, #tpu.memory_space<semaphore_mem>>) src(%dma_wait3A_144 : memref<4096x1024xf32, #tpu.memory_space<hbm>>) dst(%dma_wait3A_139 : memref<64x1024xf32, #tpu.memory_space<vmem>>)
    %dma_wait3A_145 = arith.constant 0 : i32
    %dma_wait3A_146 = arith.constant 0 : i32
    %dma_wait3A_147 = tpu.memref_slice %arg6[%dma_wait3A_145, %dma_wait3A_146] : memref<96x1024xf32, #tpu.memory_space<vmem>> -> memref<64x1024xf32, #tpu.memory_space<vmem>>
    %dma_wait3A_148 = arith.constant 384 : i32
    %dma_wait3A_149 = tpu.memref_slice %arg5[%dma_wait3A_148] : memref<512xi32, #tpu.memory_space<vmem>> -> memref<64xi32, #tpu.memory_space<vmem>>
    %dma_wait3A_150 = arith.constant 0 : i32
    %dma_wait3A_151 = arith.constant 0 : i32
    %dma_wait3A_152 = tpu.memref_slice %arg2[%dma_wait3A_150, %dma_wait3A_151] : memref<4096x1024xf32, #tpu.memory_space<hbm>> -> memref<4096x1024xf32, #tpu.memory_space<hbm>>
    tpu.wait_indirect_dma semaphore(%arg7 : memref<!tpu.dma_semaphore, #tpu.memory_space<semaphore_mem>>) src(%dma_wait3A_152 : memref<4096x1024xf32, #tpu.memory_space<hbm>>) dst(%dma_wait3A_147 : memref<64x1024xf32, #tpu.memory_space<vmem>>)
    %dma_wait3A_153 = arith.constant 0 : i32
    %dma_wait3A_154 = arith.constant 0 : i32
    %dma_wait3A_155 = tpu.memref_slice %arg6[%dma_wait3A_153, %dma_wait3A_154] : memref<96x1024xf32, #tpu.memory_space<vmem>> -> memref<64x1024xf32, #tpu.memory_space<vmem>>
    %dma_wait3A_156 = arith.constant 448 : i32
    %dma_wait3A_157 = tpu.memref_slice %arg5[%dma_wait3A_156] : memref<512xi32, #tpu.memory_space<vmem>> -> memref<64xi32, #tpu.memory_space<vmem>>
    %dma_wait3A_158 = arith.constant 0 : i32
    %dma_wait3A_159 = arith.constant 0 : i32
    %dma_wait3A_160 = tpu.memref_slice %arg2[%dma_wait3A_158, %dma_wait3A_159] : memref<4096x1024xf32, #tpu.memory_space<hbm>> -> memref<4096x1024xf32, #tpu.memory_space<hbm>>
    tpu.wait_indirect_dma semaphore(%arg7 : memref<!tpu.dma_semaphore, #tpu.memory_space<semaphore_mem>>) src(%dma_wait3A_160 : memref<4096x1024xf32, #tpu.memory_space<hbm>>) dst(%dma_wait3A_155 : memref<64x1024xf32, #tpu.memory_space<vmem>>)
    %dma_start3A_161 = arith.constant 0 : i32
    %dma_start3A_162 = arith.constant 0 : i32
    %dma_start3A_163 = tpu.memref_slice %arg6[%dma_start3A_161, %dma_start3A_162] : memref<96x1024xf32, #tpu.memory_space<vmem>> -> memref<32x1024xf32, #tpu.memory_space<vmem>>
    %dma_start3A_164 = arith.constant 0 : i32
    %dma_start3A_165 = tpu.memref_slice %arg4[%mul3A_2, %dma_start3A_164] : memref<16384x1024xf32, #tpu.memory_space<hbm>> -> memref<32x1024xf32, #tpu.memory_space<hbm>>
    %dma_start3A_166 = arith.constant 0 : i32
    %dma_start3A_167 = tpu.memref_slice %arg4[%mul3A_2, %dma_start3A_166] : memref<16384x1024xf32, #tpu.memory_space<hbm>> -> memref<32x1024xf32, #tpu.memory_space<hbm>>
    %dma_start3A_168 = arith.constant 0 : i32
    %dma_start3A_169 = arith.constant 0 : i32
    %dma_start3A_170 = tpu.memref_slice %arg6[%dma_start3A_168, %dma_start3A_169] : memref<96x1024xf32, #tpu.memory_space<vmem>> -> memref<32x1024xf32, #tpu.memory_space<vmem>>
    tpu.enqueue_dma source(%dma_start3A_170 : memref<32x1024xf32, #tpu.memory_space<vmem>>) target(%dma_start3A_167 : memref<32x1024xf32, #tpu.memory_space<hbm>>) target_semaphore(%arg8 : memref<!tpu.dma_semaphore, #tpu.memory_space<semaphore_mem>>)
    %dma_wait3A_171 = arith.constant 0 : i32
    %dma_wait3A_172 = arith.constant 0 : i32
    %dma_wait3A_173 = tpu.memref_slice %arg6[%dma_wait3A_171, %dma_wait3A_172] : memref<96x1024xf32, #tpu.memory_space<vmem>> -> memref<32x1024xf32, #tpu.memory_space<vmem>>
    %dma_wait3A_174 = arith.constant 0 : i32
    %dma_wait3A_175 = tpu.memref_slice %arg4[%mul3A_2, %dma_wait3A_174] : memref<16384x1024xf32, #tpu.memory_space<hbm>> -> memref<32x1024xf32, #tpu.memory_space<hbm>>
    %dma_wait3A_176 = arith.constant 0 : i32
    %dma_wait3A_177 = tpu.memref_slice %arg4[%mul3A_2, %dma_wait3A_176] : memref<16384x1024xf32, #tpu.memory_space<hbm>> -> memref<32x1024xf32, #tpu.memory_space<hbm>>
    %dma_wait3A_178 = arith.constant 0 : i32
    %dma_wait3A_179 = arith.constant 0 : i32
    %dma_wait3A_180 = tpu.memref_slice %arg6[%dma_wait3A_178, %dma_wait3A_179] : memref<96x1024xf32, #tpu.memory_space<vmem>> -> memref<32x1024xf32, #tpu.memory_space<vmem>>
    tpu.wait_dma2 semaphore(%arg8 : memref<!tpu.dma_semaphore, #tpu.memory_space<semaphore_mem>>) src(%dma_wait3A_180 : memref<32x1024xf32, #tpu.memory_space<vmem>>) dst(%dma_wait3A_177 : memref<32x1024xf32, #tpu.memory_space<hbm>>)
    return
  }
}

</mosaic_0001>

<sc_bundles>
// kernel: kernel.3.cloned.1.call-start
scs
__scs_entry_jumppad:
0x0: {  	(pc) =	sbr.rel $0x88, $3  }
0x1: {  	(tag) =	ssettag $0x0;
	lr =	simm.s32 $0x1  }
0x2: {  	[smem:$0x3F9F] =	sst lr;
	_ =	strace $0xD0000000  }
0x3: {  	_ = 	snop  }
0x4: {  	_ = 	snop  }
0x5: {  	_ = 	snop  }
0x6: {  	_ = 	snop  }
0x7: {  	_ = 	snop  }
__scs_overlays_trampoline_lowered:
0x8: {  	[smem:$0x3FAE] =	sst s0  }
0x9: {  	[smem:$0x3FAF] =	sst s1  }
0xa: {  	[smem:$0x3FB0] =	sst s2  }
0xb: {  	[smem:$0x3FB1] =	sst s3  }
0xc: {  	[smem:$0x3FB2] =	sst s4  }
0xd: {  	[smem:$0x3FB3] =	sst s5  }
0xe: {  	[smem:$0x3FB4] =	sst s6  }
0xf: {  	[smem:$0x3FB5] =	sst s7  }
0x10: {  	[smem:$0x3FB6] =	sst s8  }
0x11: {  	[smem:$0x3FB7] =	sst s9;
	s0 =	simm.s32 @!p0 $0x0  }
0x12: {  	s1 =	sld [smem:$0x3F9D];
	s0 =	simm.s32 @p0 $0x1  }
0x13: {  	[smem:$0x3FB8] =	sst s0;
	s0 =	simm.s32 @!p1 $0x0  }
0x14: {  	s2 =	sld [smem:$0x3F9C];
	s0 =	simm.s32 @p1 $0x1  }
0x15: {  	[smem:$0x3FB9] =	sst s0;
	s0 =	simm.s32 @!p2 $0x0  }
0x16: {  	s3 =	sld [smem:$0x3FDB];
	s0 =	simm.s32 @p2 $0x1  }
0x17: {  	s4 =	simm.s32 $0x1BF5;
	[smem:$0x3FBB] =	sst s0  }
0x18: {  	s0 =	sld [smem:$0x3F9E];
	_ =	swait.ge [sflag:s4], $0x0  }
0x19: {  	s7 =	sld [smem:$0x3F9F]  }
0x1a: {  	s8 =	sadd.s32 $0xFFFFE003, lr  }
0x1b: {  	s9 =	sadd.s32 $0xFFFFFEF7, lr;
	s5 =	simm.s32 $0xFFFFFFFF;
	p2 =	slt.u32 s8, $0xFFFFF086  }
0x1c: {  	p1 =	slt.u32 s9, $0xF7A;
	s5 =	simm.s32 @!p2 $0x0  }
0x1d: {  	s5 =	simm.s32 @p1 $0x1;
	p0 =	seq.s32 s7, s2  }
0x1e: {  	s7 =	smul.u32 @!p0 $0xF7A, s2;
	p2 =	seq.s32 @!p0 s5, $0x0  }
0x1f: {  	s9 =	smul.u32 $0xF7A, s1;
	s8 =	simm.s32 @!p0 $0x1BF5;
	p2 =	por !p2, p0  }
0x20: {  	[sflag:s8] =	ssyncset.s32 @!p0 $0xFFFFF086;
	s6 =	sadd.s32 @!p0 s3, s7;
	s7 =	simm.s32 @!p0 $0x108  }
0x21: {  	s3 =	sadd.s32 s3, s9;
	s6 =	sadd.s32 @!p0 $0x88, s6;
	s7 =	simm.s32 @p2 $0x1082  }
0x22: {  	[simem:s7], [sflag:s8] =	dma.local @!p0 [hbm:s6], $0xF7A  }
0x23: {  	s9 =	sor.u32 $0xD0000000, s2;
	s6 =	simm.s32 $0x108;
	_ =	swait.ge @!p0 [sflag:s8], $0x0  }
0x24: {  	s3 =	sadd.s32 $0x88, s3;
	s6 =	simm.s32 @!p1 $0x1082;
	[sflag:s4] =	ssyncset.s32 $0xFFFFF086  }
0x25: {  	[simem:s6], [sflag:s4] =	dma.local [hbm:s3], $0xF7A  }
0x26: {  	[smem:$0x3F9F] =	sst s1;
	(tag) =	ssettag s2;
	_ =	strace s9  }
0x27: {  	s1 =	sld [smem:$0x3FAF]  }
0x28: {  	s2 =	sld [smem:$0x3FB0]  }
0x29: {  	s4 =	sld [smem:$0x3FB2]  }
0x2a: {  	p0 =	seq.s32 s5, $0x0;
	s5 =	sld [smem:$0x3FB3]  }
0x2b: {  	s6 =	sld [smem:$0x3FB4]  }
0x2c: {  	s7 =	sld [smem:$0x3FB5]  }
0x2d: {  	s3 =	simm.s32 $0x108;
	s8 =	sld [smem:$0x3FB6]  }
0x2e: {  	s3 =	simm.s32 @!p0 $0x1082;
	s9 =	sld [smem:$0x3FB7]  }
0x2f: {  	lr =	sadd.s32 s0, s3;
	s0 =	sld [smem:$0x3FAE]  }
0x30: {  	s3 =	sld [smem:$0x3FB1]  }
0x31: {  	[smem:$0x3FBA] =	sst s10  }
0x32: {  	s10 =	sld [smem:$0x3FB8];
	_ =	sdelay $0x3  }
0x33: {  	p0 =	seq.s32 s10, $0x1;
	s10 =	sld [smem:$0x3FBA];
	_ =	sdelay $0x3  }
0x34: {  	[smem:$0x3FBA] =	sst s10  }
0x35: {  	s10 =	sld [smem:$0x3FB9];
	_ =	sdelay $0x3  }
0x36: {  	p1 =	seq.s32 s10, $0x1;
	s10 =	sld [smem:$0x3FBA];
	_ =	sdelay $0x3  }
0x37: {  	[smem:$0x3FBA] =	sst s10  }
0x38: {  	s10 =	sld [smem:$0x3FBB]  }
0x39: {  	_ = 	snop;
	(pc) =	sbr.ind lr, $3  }
0x3a: {  	_ = 	snop  }
0x3b: {  	_ = 	snop  }
0x3c: {  	p2 =	seq.s32 s10, $0x1;
	s10 =	sld [smem:$0x3FBA]  }
0x3d: {  	_ =	shalt  }
0x3e: {  	_ =	shalt  }
0x3f: {  	_ =	shalt  }
0x40: {  	_ =	shalt  }
0x41: {  	_ =	shalt  }
0x42: {  	_ =	shalt  }
0x43: {  	_ =	shalt  }
0x44: {  	_ =	shalt  }
0x45: {  	_ =	shalt  }
0x46: {  	_ =	shalt  }
0x47: {  	_ =	shalt  }
0x48: {  	_ =	shalt  }
0x49: {  	_ =	shalt  }
0x4a: {  	_ =	shalt  }
0x4b: {  	_ =	shalt  }
0x4c: {  	_ =	shalt  }
0x4d: {  	_ =	shalt  }
0x4e: {  	_ =	shalt  }
0x4f: {  	_ =	shalt  }
0x50: {  	_ =	shalt  }
0x51: {  	_ =	shalt  }
0x52: {  	_ =	shalt  }
0x53: {  	_ =	shalt  }
0x54: {  	_ =	shalt  }
0x55: {  	_ =	shalt  }
0x56: {  	_ =	shalt  }
0x57: {  	_ =	shalt  }
0x58: {  	_ =	shalt  }
0x59: {  	_ =	shalt  }
0x5a: {  	_ =	shalt  }
0x5b: {  	_ =	shalt  }
0x5c: {  	_ =	shalt  }
0x5d: {  	_ =	shalt  }
0x5e: {  	_ =	shalt  }
0x5f: {  	_ =	shalt  }
0x60: {  	_ =	shalt  }
0x61: {  	_ =	shalt  }
0x62: {  	_ =	shalt  }
0x63: {  	_ =	shalt  }
0x64: {  	_ =	shalt  }
0x65: {  	_ =	shalt  }
0x66: {  	_ =	shalt  }
0x67: {  	_ =	shalt  }
0x68: {  	_ =	shalt  }
0x69: {  	_ =	shalt  }
0x6a: {  	_ =	shalt  }
0x6b: {  	_ =	shalt  }
0x6c: {  	_ =	shalt  }
0x6d: {  	_ =	shalt  }
0x6e: {  	_ =	shalt  }
0x6f: {  	_ =	shalt  }
0x70: {  	_ =	shalt  }
0x71: {  	_ =	shalt  }
0x72: {  	_ =	shalt  }
0x73: {  	_ =	shalt  }
0x74: {  	_ =	shalt  }
0x75: {  	_ =	shalt  }
0x76: {  	_ =	shalt  }
0x77: {  	_ =	shalt  }
0x78: {  	_ =	shalt  }
0x79: {  	_ =	shalt  }
0x7a: {  	_ =	shalt  }
0x7b: {  	_ =	shalt  }
0x7c: {  	_ =	shalt  }
0x7d: {  	_ =	shalt  }
0x7e: {  	_ =	shalt  }
0x7f: {  	_ =	shalt  }
0x80: {  	_ =	shalt  }
0x81: {  	_ =	shalt  }
0x82: {  	_ =	shalt  }
0x83: {  	_ =	shalt  }
0x84: {  	_ =	shalt  }
0x85: {  	_ =	shalt  }
0x86: {  	_ =	shalt  }
0x87: {  	_ =	shalt  }
.Lfunc_end0:
.L_simem_size_0:
called_computation_lowered:
.L_overlay_start_0:
0x88: {  	s2 =	sld [smem:$0x3FD9]  }
0x89: {  	s3 =	sld [smem:$0x3FFE];
	_ =	sdelay $0x1  }
0x8a: {  	s1 =	srdreg.scid  }
0x8b: {  	s0 =	sand.u32 $0x1, s1  }
0x8c: {  	s18 =	sshll.u32 s0, $0xA;
	s2 =	sadd.s32 s3, s2  }
0x8d: {  	s2 =	sadd.s32 s2, s18  }
0x8e: {  	[smem:$0x3FC6] =	sst s2  }
0x8f: {  	_ = 	snop  }
0x90: {  	s2 =	sld [smem:$0x3FC9]  }
0x91: {  	s19 =	sld [smem:$0x3FC8]  }
0x92: {  	s4 =	sld [smem:$0x3FD0];
	(tm) =	ssettm $0x1  }
0x93: {  	s5 =	sld [smem:$0x3FFB];
	_ =	sdelay $0x3  }
0x94: {  	_ =	strace s5  }
0x95: {  	s5 =	sld [smem:$0x3FFC];
	_ =	sdelay $0x3  }
0x96: {  	_ =	strace s5  }
0x97: {  	s5 =	sld [smem:$0x3FFD];
	_ =	sdelay $0x3  }
0x98: {  	_ =	strace s5  }
0x99: {  	_ =	strace $0x8FFFFFFF  }
0x9a: {  	s20 =	sld [smem:$0x3FDB];
	_ =	sdelay $0x1  }
0x9b: {  	s6 =	simm.s32 $_scs_section_size  }
0x9c: {  	s7 =	simm.s32 $_size__tile_overlayer_lowered;
	s8 =	simm.s32 $_tile_overlayer_lowered  }
0x9d: {  	s23 =	simm.s32 $0x1BFF;
	s22 =	sshll.u32 s8, $0x1;
	s5 =	sadd.s32 s6, s20  }
0x9e: {  	s9 =	simm.s32 $0x0;
	s21 =	sshll.u32 s7, $0x1;
	s7 =	sadd.s32 s22, s5  }
0x9f: {  	[timem:s9], [sflag:s23] =	dma.local [hbm:s7], s21  }
0xa0: {  	_ =	swait.ge [sflag:s23], s21  }
0xa1: {  	s6 =	ssub.s32 $0x0, s21;
	[sflag:s23] =	ssyncset.done $0x0  }
0xa2: {  	[sflag:s23] =	ssyncadd.s32 s6;
	_ =	sdelay $0x1  }
0xa3: {  	s24 =	simm.s32 $0x1B8B  }
0xa4: {  	_ =	swait.ge [sflag:s24], $0x1  }
0xa5: {  	[sflag:s24] =	ssyncset.done $0x0  }
0xa6: {  	s25 =	simm.s32 $0x1B8E;
	[sflag:s24] =	ssyncadd.s32 $0xFFFFFFFF  }
0xa7: {  	s26 =	simm.s32 $execute0_lowered;
	[smem:$0x3FD2] =	sst s25  }
0xa8: {  	s6 =	sshll.u32 s26, $0x1;
	_ =	strace $0x80000046;
	[dreg:$0x1] =	wrdreg $0xFFFFFFFF  }
0xa9: {  	s28 =	simm.s32 $_size_execute0_lowered;
	s5 =	sadd.s32 s5, s6;
	[dreg:$0x0] =	wrdreg $0x0  }
0xaa: {  	s6 =	sshll.u32 s28, $0x1;
	[dreg:$0x2] =	wrdreg s5  }
0xab: {  	[dreg:$0x3] =	wrdreg s6  }
0xac: {  	[dreg:$0x4] =	wrdreg $0xC0  }
0xad: {  	_ =	task [dreg:s9], $0x5FFFF  }
0xae: {  	[dreg:$0x1] =	wrdreg $0xFFFFFFFF  }
0xaf: {  	[dreg:$0x0] =	wrdreg $0x60  }
0xb0: {  	[dreg:$0x2] =	wrdreg s19  }
0xb1: {  	[dreg:$0x3] =	wrdreg s2  }
0xb2: {  	[dreg:$0x4] =	wrdreg s4  }
0xb3: {  	[dreg:$0x5] =	wrdreg $0x9  }
0xb4: {  	_ =	task.clear_ibuf [dreg:s9], $0x6FFFF;
	_ =	strace $0x90000046  }
0xb5: {  	s29 =	simm.s32 $0x9;
	_ =	strace $0x80000048  }
0xb6: {  	_ =	swait.ge [sflag:s29], $0x1  }
0xb7: {  	[sflag:s29] =	ssyncadd.s32 $0xFFFFFFFF  }
0xb8: {  	_ =	strace $0x90000048  }
0xb9: {  	_ =	sfence  }
0xba: {  	s30 =	sld [smem:$0x0];
	_ =	sdelay $0x2  }
0xbb: {  	s31 =	sshll.u32 s1, $0xD;
	s1 =	sshrl.u32 s1, $0x2  }
0xbc: {  	s3 =	sand.u32 $0x4000, s31;
	s1 =	sadd.s32 s1, s30  }
0xbd: {  	s0 =	sor.u32 s3, s0;
	s1 =	sshll.u32 s1, $0x11  }
0xbe: {  	s0 =	sor.u32 s1, s0  }
0xbf: {  	s0 =	sadd.s32 $0x8F2B, s0  }
0xc0: {  	[sflag:s0] =	ssyncadd.remote.s32 $0x1  }
0xc1: {  	_ =	sfence.sel $0xFFFF  }
0xc2: {  	[dreg:$0x0] =	wrdreg $0xFFFFFFFF;
	(pc) =	sbr.abs _section_cstart, $3  }
0xc3: {  	[dreg:$0x1] =	wrdreg $0xFFFFFFFF  }
0xc4: {  	_ =	task.clear_ibuf [dreg:s9], $0x2FFFF;
	_ =	strace $0x9FFFFFFF  }
0xc5: {  	(tm) =	ssettm $0x7FFFFFFF  }
tec
execute0_lowered:
.L_overlay_start_1:
0x0: {  	(tag) =	ssettag $0x1  }
0x1: {  	s1 =	rddreg [dreg:$0x0]  }
0x2: {  	s0 =	rddreg [dreg:$0x1]  }
0x3: {  	s2 =	rddreg [dreg:$0x2];
	s4 =	srdreg.scid  }
0x4: {  	s6 =	stileid.u32;
	s3 =	simm.s32 $0x0;
	s31 =	simm.s32 $0x80  }
0x5: {  	s17 =	simm.s32 $0x1;
	s4 =	sand.u32 $0x1, s4;
	s5 =	sshll.u32 s6, $0x1  }
0x6: {  	[smem:$0x7FF] =	sst s3;
	s6 =	sshll.u32 s6, $0x2;
	s5 =	sor.u32 s4, s5  }
0x7: {  	s4 =	ssub.s32 $0x2, s4;
	s6 =	sand.u32 $0x30, s6;
	_ =	strace $0x80000047  }
0x8: {  	[dreg:$0x6] =	wrdreg s31;
	s7 =	sshll.u32 s5, $0x8;
	s8 =	sshrl.u32 s4, $0x1  }
0x9: {  	s0 =	sadd.s32 s0, s6;
	s30 =	sshll.u32 s5, $0x10;
	s7 =	sand.u32 $0x700, s7  }
0xa: {  	v2 =	vlaneseq.u32;
	s5 =	sadd.s32 $0x200, s1;
	s6 =	sadd.s32 $0x300, s1;
	s0 =	sadd.s32 s7, s0  }
0xb: {  	vm0 =	vmmov $0xffff;
	v1 =	vshrl.u32 v2, $0x3;
	s8 =	ssub.s32 s4, s8;
	[dreg:$0x4] =	wrdreg s0;
	s0 =	sadd.s32 s2, s30  }
0xc: {  	v0 =	vand.u32 $0x7, v2;
	v2 =	vor.u32 $0x8, v2;
	v1 =	vmul.u32 $0x8, v1;
	s4 =	sadd.s32 $0x100, s1;
	s2 =	smax.u32 s8, $0x1;
	[dreg:$0x5] =	wrdreg s0  }
.LBB2_1:
0xd: {  	[dreg:$0x7] =	wrdreg s2  }
0xe: {  	s18 =	rddreg [dreg:$0x4]  }
0xf: {  	s19 =	rddreg [dreg:$0x6];
	s0 =	simm.s32 $0x200;
	s21 =	simm.s32 $0x3  }
0x10: {  	[tilespmem:s3], [sflag:$0x3] =	stream.strided.gather [hbm4b:s18+s19], $0x200, s0, s19, $0x38;
	[tilespmem:$0x18200] =	vst v63  }
0x11: {  	_ =	swait.ge [sflag:s21], $0x200  }
0x12: {  	[sflag:s21] =	ssyncset.done $0x0  }
0x13: {  	[sflag:s21] =	ssyncadd.s32 $0xFFFFFE00  }
0x14: {  	v3 =	vld [tilespmem:$0x0];
	_ =	sdelay $0x4  }
0x15: {  	v4 =	vshll.u32 v3, $0x3  }
0x16: {  	v3 =	vand.u32 $0x7, v3;
	v4 =	vand.u32 $0xFFFFFFC0, v4  }
0x17: {  	v3 =	vor.u32 v3, v4  }
0x18: {  	v4 =	vperm.xlane v3, v0;
	_ =	sdelay $0x1  }
0x19: {  	v4 =	vadd.s32 v1, v4;
	_ =	sdelay $0x3  }
0x1a: {  	s20 =	simm.s32 $0x200  }
0x1b: {  	[tilespmem:s20], [sflag:$0x1] =	stream.indirect_vreg.gather [hbm4b:s1+s3], $0x80, v4, vm0, $0xb8;
	[tilespmem:$0x18200] =	vst v63  }
0x1c: {  	s22 =	simm.s32 $0xA00;
	v3 =	vperm.xlane v3, v2  }
0x1d: {  	[tilespmem:s22], [sflag:$0x1] =	stream.indirect_vreg.gather [hbm4b:s4+s3], $0x80, v4, vm0, $0xb8;
	[tilespmem:$0x18200] =	vst v63  }
0x1e: {  	s24 =	simm.s32 $0x1200;
	v3 =	vadd.s32 v1, v3  }
0x1f: {  	[tilespmem:s24], [sflag:$0x1] =	stream.indirect_vreg.gather [hbm4b:s5+s3], $0x80, v4, vm0, $0xb8;
	[tilespmem:$0x18200] =	vst v63  }
0x20: {  	s25 =	simm.s32 $0x1A00  }
0x21: {  	[tilespmem:s25], [sflag:$0x1] =	stream.indirect_vreg.gather [hbm4b:s6+s3], $0x80, v4, vm0, $0xb8;
	[tilespmem:$0x18200] =	vst v63  }
0x22: {  	s26 =	simm.s32 $0x2200  }
0x23: {  	[tilespmem:s26], [sflag:$0x1] =	stream.indirect_vreg.gather [hbm4b:s1+s3], $0x80, v3, vm0, $0xb8;
	[tilespmem:$0x18200] =	vst v63  }
0x24: {  	s28 =	simm.s32 $0x2A00  }
0x25: {  	[tilespmem:s28], [sflag:$0x1] =	stream.indirect_vreg.gather [hbm4b:s4+s3], $0x80, v3, vm0, $0xb8;
	[tilespmem:$0x18200] =	vst v63  }
0x26: {  	s29 =	simm.s32 $0x3200  }
0x27: {  	[tilespmem:s29], [sflag:$0x1] =	stream.indirect_vreg.gather [hbm4b:s5+s3], $0x80, v3, vm0, $0xb8;
	[tilespmem:$0x18200] =	vst v63  }
0x28: {  	s30 =	simm.s32 $0x3A00  }
0x29: {  	[tilespmem:s30], [sflag:$0x1] =	stream.indirect_vreg.gather [hbm4b:s6+s3], $0x80, v3, vm0, $0xb8;
	[tilespmem:$0x18200] =	vst v63  }
0x2a: {  	v3 =	vld [tilespmem:$0x10];
	_ =	sdelay $0x4  }
0x2b: {  	v33 =	vshll.u32 v3, $0x3  }
0x2c: {  	v3 =	vand.u32 $0x7, v3;
	v4 =	vand.u32 $0xFFFFFFC0, v33  }
0x2d: {  	v3 =	vor.u32 v3, v4  }
0x2e: {  	v4 =	vperm.xlane v3, v0;
	_ =	sdelay $0x1  }
0x2f: {  	v4 =	vadd.s32 v1, v4;
	_ =	sdelay $0x3  }
0x30: {  	s31 =	simm.s32 $0x4200  }
0x31: {  	[tilespmem:s31], [sflag:$0x1] =	stream.indirect_vreg.gather [hbm4b:s1+s3], $0x80, v4, vm0, $0xb8;
	[tilespmem:$0x18200] =	vst v63  }
0x32: {  	s2 =	simm.s32 $0x4A00;
	v3 =	vperm.xlane v3, v2  }
0x33: {  	[tilespmem:s2], [sflag:$0x1] =	stream.indirect_vreg.gather [hbm4b:s4+s3], $0x80, v4, vm0, $0xb8;
	[tilespmem:$0x18200] =	vst v63  }
0x34: {  	s7 =	simm.s32 $0x5200;
	v3 =	vadd.s32 v1, v3  }
0x35: {  	[tilespmem:s7], [sflag:$0x1] =	stream.indirect_vreg.gather [hbm4b:s5+s3], $0x80, v4, vm0, $0xb8;
	[tilespmem:$0x18200] =	vst v63  }
0x36: {  	s8 =	simm.s32 $0x5A00  }
0x37: {  	[tilespmem:s8], [sflag:$0x1] =	stream.indirect_vreg.gather [hbm4b:s6+s3], $0x80, v4, vm0, $0xb8;
	[tilespmem:$0x18200] =	vst v63  }
0x38: {  	s11 =	simm.s32 $0x6200  }
0x39: {  	[tilespmem:s11], [sflag:$0x1] =	stream.indirect_vreg.gather [hbm4b:s1+s3], $0x80, v3, vm0, $0xb8;
	[tilespmem:$0x18200] =	vst v63  }
0x3a: {  	s12 =	simm.s32 $0x6A00  }
0x3b: {  	[tilespmem:s12], [sflag:$0x1] =	stream.indirect_vreg.gather [hbm4b:s4+s3], $0x80, v3, vm0, $0xb8;
	[tilespmem:$0x18200] =	vst v63  }
0x3c: {  	s15 =	simm.s32 $0x7200  }
0x3d: {  	[tilespmem:s15], [sflag:$0x1] =	stream.indirect_vreg.gather [hbm4b:s5+s3], $0x80, v3, vm0, $0xb8;
	[tilespmem:$0x18200] =	vst v63  }
0x3e: {  	s16 =	simm.s32 $0x7A00  }
0x3f: {  	[tilespmem:s16], [sflag:$0x1] =	stream.indirect_vreg.gather [hbm4b:s6+s3], $0x80, v3, vm0, $0xb8;
	[tilespmem:$0x18200] =	vst v63  }
0x40: {  	v3 =	vld [tilespmem:$0x20];
	_ =	sdelay $0x4  }
0x41: {  	v34 =	vshll.u32 v3, $0x3  }
0x42: {  	v3 =	vand.u32 $0x7, v3;
	v4 =	vand.u32 $0xFFFFFFC0, v34  }
0x43: {  	v3 =	vor.u32 v3, v4  }
0x44: {  	v4 =	vperm.xlane v3, v0;
	_ =	sdelay $0x1  }
0x45: {  	v4 =	vadd.s32 v1, v4;
	_ =	sdelay $0x3  }
0x46: {  	s20 =	simm.s32 $0x8200  }
0x47: {  	[tilespmem:s20], [sflag:$0x1] =	stream.indirect_vreg.gather [hbm4b:s1+s3], $0x80, v4, vm0, $0xb8;
	[tilespmem:$0x18200] =	vst v63  }
0x48: {  	s22 =	simm.s32 $0x8A00;
	v3 =	vperm.xlane v3, v2  }
0x49: {  	[tilespmem:s22], [sflag:$0x1] =	stream.indirect_vreg.gather [hbm4b:s4+s3], $0x80, v4, vm0, $0xb8;
	[tilespmem:$0x18200] =	vst v63  }
0x4a: {  	s29 =	simm.s32 $0x9200;
	v3 =	vadd.s32 v1, v3  }
0x4b: {  	[tilespmem:s29], [sflag:$0x1] =	stream.indirect_vreg.gather [hbm4b:s5+s3], $0x80, v4, vm0, $0xb8;
	[tilespmem:$0x18200] =	vst v63  }
0x4c: {  	s30 =	simm.s32 $0x9A00  }
0x4d: {  	[tilespmem:s30], [sflag:$0x1] =	stream.indirect_vreg.gather [hbm4b:s6+s3], $0x80, v4, vm0, $0xb8;
	[tilespmem:$0x18200] =	vst v63  }
0x4e: {  	s31 =	simm.s32 $0xA200  }
0x4f: {  	[tilespmem:s31], [sflag:$0x1] =	stream.indirect_vreg.gather [hbm4b:s1+s3], $0x80, v3, vm0, $0xb8;
	[tilespmem:$0x18200] =	vst v63  }
0x50: {  	s2 =	simm.s32 $0xAA00  }
0x51: {  	[tilespmem:s2], [sflag:$0x1] =	stream.indirect_vreg.gather [hbm4b:s4+s3], $0x80, v3, vm0, $0xb8;
	[tilespmem:$0x18200] =	vst v63  }
0x52: {  	s7 =	simm.s32 $0xB200  }
0x53: {  	[tilespmem:s7], [sflag:$0x1] =	stream.indirect_vreg.gather [hbm4b:s5+s3], $0x80, v3, vm0, $0xb8;
	[tilespmem:$0x18200] =	vst v63  }
0x54: {  	s8 =	simm.s32 $0xBA00  }
0x55: {  	[tilespmem:s8], [sflag:$0x1] =	stream.indirect_vreg.gather [hbm4b:s6+s3], $0x80, v3, vm0, $0xb8;
	[tilespmem:$0x18200] =	vst v63  }
0x56: {  	v3 =	vld [tilespmem:$0x30];
	_ =	sdelay $0x4  }
0x57: {  	v35 =	vshll.u32 v3, $0x3  }
0x58: {  	v3 =	vand.u32 $0x7, v3;
	v4 =	vand.u32 $0xFFFFFFC0, v35  }
0x59: {  	v3 =	vor.u32 v3, v4  }
0x5a: {  	v4 =	vperm.xlane v3, v0;
	_ =	sdelay $0x1  }
0x5b: {  	v4 =	vadd.s32 v1, v4;
	_ =	sdelay $0x3  }
0x5c: {  	s15 =	simm.s32 $0xC200  }
0x5d: {  	[tilespmem:s15], [sflag:$0x1] =	stream.indirect_vreg.gather [hbm4b:s1+s3], $0x80, v4, vm0, $0xb8;
	[tilespmem:$0x18200] =	vst v63  }
0x5e: {  	s16 =	simm.s32 $0xCA00;
	v3 =	vperm.xlane v3, v2  }
0x5f: {  	[tilespmem:s16], [sflag:$0x1] =	stream.indirect_vreg.gather [hbm4b:s4+s3], $0x80, v4, vm0, $0xb8;
	[tilespmem:$0x18200] =	vst v63  }
0x60: {  	s22 =	simm.s32 $0xD200;
	v3 =	vadd.s32 v1, v3  }
0x61: {  	[tilespmem:s22], [sflag:$0x1] =	stream.indirect_vreg.gather [hbm4b:s5+s3], $0x80, v4, vm0, $0xb8;
	[tilespmem:$0x18200] =	vst v63  }
0x62: {  	s29 =	simm.s32 $0xDA00  }
0x63: {  	[tilespmem:s29], [sflag:$0x1] =	stream.indirect_vreg.gather [hbm4b:s6+s3], $0x80, v4, vm0, $0xb8;
	[tilespmem:$0x18200] =	vst v63  }
0x64: {  	s30 =	simm.s32 $0xE200  }
0x65: {  	[tilespmem:s30], [sflag:$0x1] =	stream.indirect_vreg.gather [hbm4b:s1+s3], $0x80, v3, vm0, $0xb8;
	[tilespmem:$0x18200] =	vst v63  }
0x66: {  	s31 =	simm.s32 $0xEA00  }
0x67: {  	[tilespmem:s31], [sflag:$0x1] =	stream.indirect_vreg.gather [hbm4b:s4+s3], $0x80, v3, vm0, $0xb8;
	[tilespmem:$0x18200] =	vst v63  }
0x68: {  	s15 =	simm.s32 $0xF200  }
0x69: {  	[tilespmem:s15], [sflag:$0x1] =	stream.indirect_vreg.gather [hbm4b:s5+s3], $0x80, v3, vm0, $0xb8;
	[tilespmem:$0x18200] =	vst v63  }
0x6a: {  	s16 =	simm.s32 $0xFA00  }
0x6b: {  	[tilespmem:s16], [sflag:$0x1] =	stream.indirect_vreg.gather [hbm4b:s6+s3], $0x80, v3, vm0, $0xb8;
	[tilespmem:$0x18200] =	vst v63  }
0x6c: {  	v3 =	vld [tilespmem:$0x40];
	_ =	sdelay $0x4  }
0x6d: {  	v36 =	vshll.u32 v3, $0x3  }
0x6e: {  	v3 =	vand.u32 $0x7, v3;
	v4 =	vand.u32 $0xFFFFFFC0, v36  }
0x6f: {  	v3 =	vor.u32 v3, v4  }
0x70: {  	v4 =	vperm.xlane v3, v0;
	_ =	sdelay $0x1  }
0x71: {  	v4 =	vadd.s32 v1, v4;
	_ =	sdelay $0x3  }
0x72: {  	s23 =	simm.s32 $0x200  }
0x73: {  	[tilespmem:s23], [sflag:$0x1] =	stream.indirect_vreg.gather [hbm4b:s1+s3], $0x80, v4, vm0, $0xb8;
	[tilespmem:$0x18200] =	vst v63  }
0x74: {  	s14 =	simm.s32 $0xA00;
	v3 =	vperm.xlane v3, v2  }
0x75: {  	[tilespmem:s14], [sflag:$0x1] =	stream.indirect_vreg.gather [hbm4b:s4+s3], $0x80, v4, vm0, $0xb8;
	[tilespmem:$0x18200] =	vst v63  }
0x76: {  	s24 =	simm.s32 $0x1200;
	v3 =	vadd.s32 v1, v3  }
0x77: {  	[tilespmem:s24], [sflag:$0x1] =	stream.indirect_vreg.gather [hbm4b:s5+s3], $0x80, v4, vm0, $0xb8;
	[tilespmem:$0x18200] =	vst v63  }
0x78: {  	s9 =	simm.s32 $0x1A00  }
0x79: {  	[tilespmem:s9], [sflag:$0x1] =	stream.indirect_vreg.gather [hbm4b:s6+s3], $0x80, v4, vm0, $0xb8;
	[tilespmem:$0x18200] =	vst v63  }
0x7a: {  	s10 =	simm.s32 $0x2200  }
0x7b: {  	[tilespmem:s10], [sflag:$0x1] =	stream.indirect_vreg.gather [hbm4b:s1+s3], $0x80, v3, vm0, $0xb8;
	[tilespmem:$0x18200] =	vst v63  }
0x7c: {  	s13 =	simm.s32 $0x2A00  }
0x7d: {  	[tilespmem:s13], [sflag:$0x1] =	stream.indirect_vreg.gather [hbm4b:s4+s3], $0x80, v3, vm0, $0xb8;
	[tilespmem:$0x18200] =	vst v63  }
0x7e: {  	s19 =	simm.s32 $0x3200  }
0x7f: {  	[tilespmem:s19], [sflag:$0x1] =	stream.indirect_vreg.gather [hbm4b:s5+s3], $0x80, v3, vm0, $0xb8;
	[tilespmem:$0x18200] =	vst v63  }
0x80: {  	s18 =	simm.s32 $0x3A00  }
0x81: {  	[tilespmem:s18], [sflag:$0x1] =	stream.indirect_vreg.gather [hbm4b:s6+s3], $0x80, v3, vm0, $0xb8;
	[tilespmem:$0x18200] =	vst v63  }
0x82: {  	v3 =	vld [tilespmem:$0x50];
	_ =	sdelay $0x4  }
0x83: {  	v37 =	vshll.u32 v3, $0x3  }
0x84: {  	v3 =	vand.u32 $0x7, v3;
	v4 =	vand.u32 $0xFFFFFFC0, v37  }
0x85: {  	v3 =	vor.u32 v3, v4  }
0x86: {  	v4 =	vperm.xlane v3, v0;
	_ =	sdelay $0x1  }
0x87: {  	v4 =	vadd.s32 v1, v4;
	_ =	sdelay $0x3  }
0x88: {  	s21 =	simm.s32 $0x4200  }
0x89: {  	[tilespmem:s21], [sflag:$0x1] =	stream.indirect_vreg.gather [hbm4b:s1+s3], $0x80, v4, vm0, $0xb8;
	[tilespmem:$0x18200] =	vst v63  }
0x8a: {  	s25 =	simm.s32 $0x4A00;
	v3 =	vperm.xlane v3, v2  }
0x8b: {  	[tilespmem:s25], [sflag:$0x1] =	stream.indirect_vreg.gather [hbm4b:s4+s3], $0x80, v4, vm0, $0xb8;
	[tilespmem:$0x18200] =	vst v63  }
0x8c: {  	s26 =	simm.s32 $0x5200;
	v3 =	vadd.s32 v1, v3  }
0x8d: {  	[tilespmem:s26], [sflag:$0x1] =	stream.indirect_vreg.gather [hbm4b:s5+s3], $0x80, v4, vm0, $0xb8;
	[tilespmem:$0x18200] =	vst v63  }
0x8e: {  	s28 =	simm.s32 $0x5A00  }
0x8f: {  	[tilespmem:s28], [sflag:$0x1] =	stream.indirect_vreg.gather [hbm4b:s6+s3], $0x80, v4, vm0, $0xb8;
	[tilespmem:$0x18200] =	vst v63  }
0x90: {  	s30 =	simm.s32 $0x6200  }
0x91: {  	[tilespmem:s30], [sflag:$0x1] =	stream.indirect_vreg.gather [hbm4b:s1+s3], $0x80, v3, vm0, $0xb8;
	[tilespmem:$0x18200] =	vst v63  }
0x92: {  	s31 =	simm.s32 $0x6A00  }
0x93: {  	[tilespmem:s31], [sflag:$0x1] =	stream.indirect_vreg.gather [hbm4b:s4+s3], $0x80, v3, vm0, $0xb8;
	[tilespmem:$0x18200] =	vst v63  }
0x94: {  	s2 =	simm.s32 $0x7200  }
0x95: {  	[tilespmem:s2], [sflag:$0x1] =	stream.indirect_vreg.gather [hbm4b:s5+s3], $0x80, v3, vm0, $0xb8;
	[tilespmem:$0x18200] =	vst v63  }
0x96: {  	s9 =	simm.s32 $0x7A00  }
0x97: {  	[tilespmem:s9], [sflag:$0x1] =	stream.indirect_vreg.gather [hbm4b:s6+s3], $0x80, v3, vm0, $0xb8;
	[tilespmem:$0x18200] =	vst v63  }
0x98: {  	v3 =	vld [tilespmem:$0x60];
	_ =	sdelay $0x4  }
0x99: {  	v38 =	vshll.u32 v3, $0x3  }
0x9a: {  	v3 =	vand.u32 $0x7, v3;
	v4 =	vand.u32 $0xFFFFFFC0, v38  }
0x9b: {  	v3 =	vor.u32 v3, v4  }
0x9c: {  	v4 =	vperm.xlane v3, v0;
	_ =	sdelay $0x1  }
0x9d: {  	v4 =	vadd.s32 v1, v4;
	_ =	sdelay $0x3  }
0x9e: {  	s11 =	simm.s32 $0x8200  }
0x9f: {  	[tilespmem:s11], [sflag:$0x1] =	stream.indirect_vreg.gather [hbm4b:s1+s3], $0x80, v4, vm0, $0xb8;
	[tilespmem:$0x18200] =	vst v63  }
0xa0: {  	s12 =	simm.s32 $0x8A00;
	v3 =	vperm.xlane v3, v2  }
0xa1: {  	[tilespmem:s12], [sflag:$0x1] =	stream.indirect_vreg.gather [hbm4b:s4+s3], $0x80, v4, vm0, $0xb8;
	[tilespmem:$0x18200] =	vst v63  }
0xa2: {  	s10 =	simm.s32 $0x9200;
	v3 =	vadd.s32 v1, v3  }
0xa3: {  	[tilespmem:s10], [sflag:$0x1] =	stream.indirect_vreg.gather [hbm4b:s5+s3], $0x80, v4, vm0, $0xb8;
	[tilespmem:$0x18200] =	vst v63  }
0xa4: {  	s11 =	simm.s32 $0x9A00  }
0xa5: {  	[tilespmem:s11], [sflag:$0x1] =	stream.indirect_vreg.gather [hbm4b:s6+s3], $0x80, v4, vm0, $0xb8;
	[tilespmem:$0x18200] =	vst v63  }
0xa6: {  	s12 =	simm.s32 $0xA200  }
0xa7: {  	[tilespmem:s12], [sflag:$0x1] =	stream.indirect_vreg.gather [hbm4b:s1+s3], $0x80, v3, vm0, $0xb8;
	[tilespmem:$0x18200] =	vst v63  }
0xa8: {  	s13 =	simm.s32 $0xAA00  }
0xa9: {  	[tilespmem:s13], [sflag:$0x1] =	stream.indirect_vreg.gather [hbm4b:s4+s3], $0x80, v3, vm0, $0xb8;
	[tilespmem:$0x18200] =	vst v63  }
0xaa: {  	s14 =	simm.s32 $0xB200  }
0xab: {  	[tilespmem:s14], [sflag:$0x1] =	stream.indirect_vreg.gather [hbm4b:s5+s3], $0x80, v3, vm0, $0xb8;
	[tilespmem:$0x18200] =	vst v63  }
0xac: {  	s20 =	simm.s32 $0xBA00  }
0xad: {  	[tilespmem:s20], [sflag:$0x1] =	stream.indirect_vreg.gather [hbm4b:s6+s3], $0x80, v3, vm0, $0xb8;
	[tilespmem:$0x18200] =	vst v63  }
0xae: {  	v3 =	vld [tilespmem:$0x70];
	_ =	sdelay $0x4  }
0xaf: {  	v39 =	vshll.u32 v3, $0x3  }
0xb0: {  	v3 =	vand.u32 $0x7, v3;
	v4 =	vand.u32 $0xFFFFFFC0, v39  }
0xb1: {  	v3 =	vor.u32 v3, v4  }
0xb2: {  	v4 =	vperm.xlane v3, v0;
	_ =	sdelay $0x1  }
0xb3: {  	v4 =	vadd.s32 v1, v4;
	_ =	sdelay $0x3  }
0xb4: {  	s20 =	simm.s32 $0xC200  }
0xb5: {  	[tilespmem:s20], [sflag:$0x1] =	stream.indirect_vreg.gather [hbm4b:s1+s3], $0x80, v4, vm0, $0xb8;
	[tilespmem:$0x18200] =	vst v63  }
0xb6: {  	s8 =	simm.s32 $0xCA00;
	v3 =	vperm.xlane v3, v2  }
0xb7: {  	[tilespmem:s8], [sflag:$0x1] =	stream.indirect_vreg.gather [hbm4b:s4+s3], $0x80, v4, vm0, $0xb8;
	[tilespmem:$0x18200] =	vst v63  }
0xb8: {  	s0 =	simm.s32 $0xD200;
	v3 =	vadd.s32 v1, v3  }
0xb9: {  	[tilespmem:s0], [sflag:$0x1] =	stream.indirect_vreg.gather [hbm4b:s5+s3], $0x80, v4, vm0, $0xb8;
	[tilespmem:$0x18200] =	vst v63  }
0xba: {  	s0 =	simm.s32 $0xDA00  }
0xbb: {  	[tilespmem:s0], [sflag:$0x1] =	stream.indirect_vreg.gather [hbm4b:s6+s3], $0x80, v4, vm0, $0xb8;
	[tilespmem:$0x18200] =	vst v63  }
0xbc: {  	s7 =	simm.s32 $0xE200  }
0xbd: {  	[tilespmem:s7], [sflag:$0x1] =	stream.indirect_vreg.gather [hbm4b:s1+s3], $0x80, v3, vm0, $0xb8;
	[tilespmem:$0x18200] =	vst v63  }
0xbe: {  	s7 =	simm.s32 $0xEA00  }
0xbf: {  	[tilespmem:s7], [sflag:$0x1] =	stream.indirect_vreg.gather [hbm4b:s4+s3], $0x80, v3, vm0, $0xb8;
	[tilespmem:$0x18200] =	vst v63  }
0xc0: {  	s8 =	simm.s32 $0xF200  }
0xc1: {  	[tilespmem:s8], [sflag:$0x1] =	stream.indirect_vreg.gather [hbm4b:s5+s3], $0x80, v3, vm0, $0xb8;
	[tilespmem:$0x18200] =	vst v63  }
0xc2: {  	s15 =	simm.s32 $0xFA00  }
0xc3: {  	[tilespmem:s15], [sflag:$0x1] =	stream.indirect_vreg.gather [hbm4b:s6+s3], $0x80, v3, vm0, $0xb8;
	[tilespmem:$0x18200] =	vst v63  }
0xc4: {  	v3 =	vld [tilespmem:$0x80];
	_ =	sdelay $0x4  }
0xc5: {  	v40 =	vshll.u32 v3, $0x3  }
0xc6: {  	v3 =	vand.u32 $0x7, v3;
	v4 =	vand.u32 $0xFFFFFFC0, v40  }
0xc7: {  	v3 =	vor.u32 v3, v4  }
0xc8: {  	v4 =	vperm.xlane v3, v0;
	_ =	sdelay $0x1  }
0xc9: {  	v4 =	vadd.s32 v1, v4;
	_ =	sdelay $0x3  }
0xca: {  	s22 =	simm.s32 $0x200  }
0xcb: {  	[tilespmem:s22], [sflag:$0x1] =	stream.indirect_vreg.gather [hbm4b:s1+s3], $0x80, v4, vm0, $0xb8;
	[tilespmem:$0x18200] =	vst v63  }
0xcc: {  	s16 =	simm.s32 $0xA00;
	v3 =	vperm.xlane v3, v2  }
0xcd: {  	[tilespmem:s16], [sflag:$0x1] =	stream.indirect_vreg.gather [hbm4b:s4+s3], $0x80, v4, vm0, $0xb8;
	[tilespmem:$0x18200] =	vst v63  }
0xce: {  	v3 =	vadd.s32 v1, v3;
	s22 =	simm.s32 $0x1200  }
0xcf: {  	[tilespmem:s22], [sflag:$0x1] =	stream.indirect_vreg.gather [hbm4b:s5+s3], $0x80, v4, vm0, $0xb8;
	[tilespmem:$0x18200] =	vst v63  }
0xd0: {  	s23 =	simm.s32 $0x1A00  }
0xd1: {  	[tilespmem:s23], [sflag:$0x1] =	stream.indirect_vreg.gather [hbm4b:s6+s3], $0x80, v4, vm0, $0xb8;
	[tilespmem:$0x18200] =	vst v63  }
0xd2: {  	s24 =	simm.s32 $0x2200  }
0xd3: {  	[tilespmem:s24], [sflag:$0x1] =	stream.indirect_vreg.gather [hbm4b:s1+s3], $0x80, v3, vm0, $0xb8;
	[tilespmem:$0x18200] =	vst v63  }
0xd4: {  	s29 =	simm.s32 $0x2A00  }
0xd5: {  	[tilespmem:s29], [sflag:$0x1] =	stream.indirect_vreg.gather [hbm4b:s4+s3], $0x80, v3, vm0, $0xb8;
	[tilespmem:$0x18200] =	vst v63  }
0xd6: {  	s19 =	simm.s32 $0x3200  }
0xd7: {  	[tilespmem:s19], [sflag:$0x1] =	stream.indirect_vreg.gather [hbm4b:s5+s3], $0x80, v3, vm0, $0xb8;
	[tilespmem:$0x18200] =	vst v63  }
0xd8: {  	s23 =	simm.s32 $0x3A00  }
0xd9: {  	[tilespmem:s23], [sflag:$0x1] =	stream.indirect_vreg.gather [hbm4b:s6+s3], $0x80, v3, vm0, $0xb8;
	[tilespmem:$0x18200] =	vst v63  }
0xda: {  	v3 =	vld [tilespmem:$0x90];
	_ =	sdelay $0x4  }
0xdb: {  	v41 =	vshll.u32 v3, $0x3  }
0xdc: {  	v3 =	vand.u32 $0x7, v3;
	v4 =	vand.u32 $0xFFFFFFC0, v41  }
0xdd: {  	v3 =	vor.u32 v3, v4  }
0xde: {  	v4 =	vperm.xlane v3, v0;
	_ =	sdelay $0x1  }
0xdf: {  	v4 =	vadd.s32 v1, v4;
	_ =	sdelay $0x3  }
0xe0: {  	s29 =	simm.s32 $0x4200  }
0xe1: {  	[tilespmem:s29], [sflag:$0x1] =	stream.indirect_vreg.gather [hbm4b:s1+s3], $0x80, v4, vm0, $0xb8;
	[tilespmem:$0x18200] =	vst v63  }
0xe2: {  	s23 =	simm.s32 $0x4A00;
	v3 =	vperm.xlane v3, v2  }
0xe3: {  	[tilespmem:s23], [sflag:$0x1] =	stream.indirect_vreg.gather [hbm4b:s4+s3], $0x80, v4, vm0, $0xb8;
	[tilespmem:$0x18200] =	vst v63  }
0xe4: {  	v3 =	vadd.s32 v1, v3;
	s29 =	simm.s32 $0x5200  }
0xe5: {  	[tilespmem:s29], [sflag:$0x1] =	stream.indirect_vreg.gather [hbm4b:s5+s3], $0x80, v4, vm0, $0xb8;
	[tilespmem:$0x18200] =	vst v63  }
0xe6: {  	s23 =	simm.s32 $0x5A00  }
0xe7: {  	[tilespmem:s23], [sflag:$0x1] =	stream.indirect_vreg.gather [hbm4b:s6+s3], $0x80, v4, vm0, $0xb8;
	[tilespmem:$0x18200] =	vst v63  }
0xe8: {  	_ = 	snop  }
0xe9: {  	[tilespmem:s30], [sflag:$0x1] =	stream.indirect_vreg.gather [hbm4b:s1+s3], $0x80, v3, vm0, $0xb8;
	[tilespmem:$0x18200] =	vst v63  }
0xea: {  	_ = 	snop  }
0xeb: {  	[tilespmem:s31], [sflag:$0x1] =	stream.indirect_vreg.gather [hbm4b:s4+s3], $0x80, v3, vm0, $0xb8;
	[tilespmem:$0x18200] =	vst v63  }
0xec: {  	_ = 	snop  }
0xed: {  	[tilespmem:s2], [sflag:$0x1] =	stream.indirect_vreg.gather [hbm4b:s5+s3], $0x80, v3, vm0, $0xb8;
	[tilespmem:$0x18200] =	vst v63  }
0xee: {  	_ = 	snop  }
0xef: {  	[tilespmem:s9], [sflag:$0x1] =	stream.indirect_vreg.gather [hbm4b:s6+s3], $0x80, v3, vm0, $0xb8;
	[tilespmem:$0x18200] =	vst v63  }
0xf0: {  	v3 =	vld [tilespmem:$0xA0];
	_ =	sdelay $0x4  }
0xf1: {  	v42 =	vshll.u32 v3, $0x3  }
0xf2: {  	v3 =	vand.u32 $0x7, v3;
	v4 =	vand.u32 $0xFFFFFFC0, v42  }
0xf3: {  	v3 =	vor.u32 v3, v4  }
0xf4: {  	v4 =	vperm.xlane v3, v0;
	_ =	sdelay $0x1  }
0xf5: {  	v4 =	vadd.s32 v1, v4;
	_ =	sdelay $0x3  }
0xf6: {  	s25 =	simm.s32 $0x8200  }
0xf7: {  	[tilespmem:s25], [sflag:$0x1] =	stream.indirect_vreg.gather [hbm4b:s1+s3], $0x80, v4, vm0, $0xb8;
	[tilespmem:$0x18200] =	vst v63  }
0xf8: {  	s26 =	simm.s32 $0x8A00;
	v3 =	vperm.xlane v3, v2  }
0xf9: {  	[tilespmem:s26], [sflag:$0x1] =	stream.indirect_vreg.gather [hbm4b:s4+s3], $0x80, v4, vm0, $0xb8;
	[tilespmem:$0x18200] =	vst v63  }
0xfa: {  	v3 =	vadd.s32 v1, v3  }
0xfb: {  	[tilespmem:s10], [sflag:$0x1] =	stream.indirect_vreg.gather [hbm4b:s5+s3], $0x80, v4, vm0, $0xb8;
	[tilespmem:$0x18200] =	vst v63  }
0xfc: {  	_ = 	snop  }
0xfd: {  	[tilespmem:s11], [sflag:$0x1] =	stream.indirect_vreg.gather [hbm4b:s6+s3], $0x80, v4, vm0, $0xb8;
	[tilespmem:$0x18200] =	vst v63  }
0xfe: {  	_ = 	snop  }
0xff: {  	[tilespmem:s12], [sflag:$0x1] =	stream.indirect_vreg.gather [hbm4b:s1+s3], $0x80, v3, vm0, $0xb8;
	[tilespmem:$0x18200] =	vst v63  }
0x100: {  	_ = 	snop  }
0x101: {  	[tilespmem:s13], [sflag:$0x1] =	stream.indirect_vreg.gather [hbm4b:s4+s3], $0x80, v3, vm0, $0xb8;
	[tilespmem:$0x18200] =	vst v63  }
0x102: {  	_ = 	snop  }
0x103: {  	[tilespmem:s14], [sflag:$0x1] =	stream.indirect_vreg.gather [hbm4b:s5+s3], $0x80, v3, vm0, $0xb8;
	[tilespmem:$0x18200] =	vst v63  }
0x104: {  	s28 =	simm.s32 $0xBA00  }
0x105: {  	[tilespmem:s28], [sflag:$0x1] =	stream.indirect_vreg.gather [hbm4b:s6+s3], $0x80, v3, vm0, $0xb8;
	[tilespmem:$0x18200] =	vst v63  }
0x106: {  	v3 =	vld [tilespmem:$0xB0];
	_ =	sdelay $0x4  }
0x107: {  	v43 =	vshll.u32 v3, $0x3  }
0x108: {  	v3 =	vand.u32 $0x7, v3;
	v4 =	vand.u32 $0xFFFFFFC0, v43  }
0x109: {  	v3 =	vor.u32 v3, v4  }
0x10a: {  	v4 =	vperm.xlane v3, v0;
	_ =	sdelay $0x1  }
0x10b: {  	v4 =	vadd.s32 v1, v4;
	_ =	sdelay $0x4  }
0x10c: {  	[tilespmem:s20], [sflag:$0x1] =	stream.indirect_vreg.gather [hbm4b:s1+s3], $0x80, v4, vm0, $0xb8;
	[tilespmem:$0x18200] =	vst v63  }
0x10d: {  	s21 =	simm.s32 $0xCA00;
	v3 =	vperm.xlane v3, v2  }
0x10e: {  	[tilespmem:s21], [sflag:$0x1] =	stream.indirect_vreg.gather [hbm4b:s4+s3], $0x80, v4, vm0, $0xb8;
	[tilespmem:$0x18200] =	vst v63  }
0x10f: {  	s29 =	simm.s32 $0xD200;
	v3 =	vadd.s32 v1, v3  }
0x110: {  	[tilespmem:s29], [sflag:$0x1] =	stream.indirect_vreg.gather [hbm4b:s5+s3], $0x80, v4, vm0, $0xb8;
	[tilespmem:$0x18200] =	vst v63  }
0x111: {  	_ = 	snop  }
0x112: {  	[tilespmem:s0], [sflag:$0x1] =	stream.indirect_vreg.gather [hbm4b:s6+s3], $0x80, v4, vm0, $0xb8;
	[tilespmem:$0x18200] =	vst v63  }
0x113: {  	s2 =	simm.s32 $0xE200  }
0x114: {  	[tilespmem:s2], [sflag:$0x1] =	stream.indirect_vreg.gather [hbm4b:s1+s3], $0x80, v3, vm0, $0xb8;
	[tilespmem:$0x18200] =	vst v63  }
0x115: {  	_ = 	snop  }
0x116: {  	[tilespmem:s7], [sflag:$0x1] =	stream.indirect_vreg.gather [hbm4b:s4+s3], $0x80, v3, vm0, $0xb8;
	[tilespmem:$0x18200] =	vst v63  }
0x117: {  	_ = 	snop  }
0x118: {  	[tilespmem:s8], [sflag:$0x1] =	stream.indirect_vreg.gather [hbm4b:s5+s3], $0x80, v3, vm0, $0xb8;
	[tilespmem:$0x18200] =	vst v63  }
0x119: {  	s15 =	simm.s32 $0xFA00  }
0x11a: {  	[tilespmem:s15], [sflag:$0x1] =	stream.indirect_vreg.gather [hbm4b:s6+s3], $0x80, v3, vm0, $0xb8;
	[tilespmem:$0x18200] =	vst v63  }
0x11b: {  	v3 =	vld [tilespmem:$0xC0];
	_ =	sdelay $0x4  }
0x11c: {  	v44 =	vshll.u32 v3, $0x3  }
0x11d: {  	v3 =	vand.u32 $0x7, v3;
	v4 =	vand.u32 $0xFFFFFFC0, v44  }
0x11e: {  	v3 =	vor.u32 v3, v4  }
0x11f: {  	v4 =	vperm.xlane v3, v0;
	_ =	sdelay $0x1  }
0x120: {  	v4 =	vadd.s32 v1, v4;
	_ =	sdelay $0x3  }
0x121: {  	s18 =	simm.s32 $0x200  }
0x122: {  	[tilespmem:s18], [sflag:$0x1] =	stream.indirect_vreg.gather [hbm4b:s1+s3], $0x80, v4, vm0, $0xb8;
	[tilespmem:$0x18200] =	vst v63  }
0x123: {  	s25 =	simm.s32 $0xA00;
	v3 =	vperm.xlane v3, v2  }
0x124: {  	[tilespmem:s25], [sflag:$0x1] =	stream.indirect_vreg.gather [hbm4b:s4+s3], $0x80, v4, vm0, $0xb8;
	[tilespmem:$0x18200] =	vst v63  }
0x125: {  	v3 =	vadd.s32 v1, v3;
	s25 =	simm.s32 $0x1200  }
0x126: {  	[tilespmem:s25], [sflag:$0x1] =	stream.indirect_vreg.gather [hbm4b:s5+s3], $0x80, v4, vm0, $0xb8;
	[tilespmem:$0x18200] =	vst v63  }
0x127: {  	s16 =	simm.s32 $0x1A00  }
0x128: {  	[tilespmem:s16], [sflag:$0x1] =	stream.indirect_vreg.gather [hbm4b:s6+s3], $0x80, v4, vm0, $0xb8;
	[tilespmem:$0x18200] =	vst v63  }
0x129: {  	s22 =	simm.s32 $0x2200  }
0x12a: {  	[tilespmem:s22], [sflag:$0x1] =	stream.indirect_vreg.gather [hbm4b:s1+s3], $0x80, v3, vm0, $0xb8;
	[tilespmem:$0x18200] =	vst v63  }
0x12b: {  	s24 =	simm.s32 $0x2A00  }
0x12c: {  	[tilespmem:s24], [sflag:$0x1] =	stream.indirect_vreg.gather [hbm4b:s4+s3], $0x80, v3, vm0, $0xb8;
	[tilespmem:$0x18200] =	vst v63  }
0x12d: {  	s24 =	simm.s32 $0x3200  }
0x12e: {  	[tilespmem:s24], [sflag:$0x1] =	stream.indirect_vreg.gather [hbm4b:s5+s3], $0x80, v3, vm0, $0xb8;
	[tilespmem:$0x18200] =	vst v63  }
0x12f: {  	s24 =	simm.s32 $0x3A00  }
0x130: {  	[tilespmem:s24], [sflag:$0x1] =	stream.indirect_vreg.gather [hbm4b:s6+s3], $0x80, v3, vm0, $0xb8;
	[tilespmem:$0x18200] =	vst v63  }
0x131: {  	v3 =	vld [tilespmem:$0xD0];
	_ =	sdelay $0x4  }
0x132: {  	v45 =	vshll.u32 v3, $0x3  }
0x133: {  	v3 =	vand.u32 $0x7, v3;
	v4 =	vand.u32 $0xFFFFFFC0, v45  }
0x134: {  	v3 =	vor.u32 v3, v4  }
0x135: {  	v4 =	vperm.xlane v3, v0;
	_ =	sdelay $0x1  }
0x136: {  	v4 =	vadd.s32 v1, v4;
	_ =	sdelay $0x3  }
0x137: {  	s24 =	simm.s32 $0x4200  }
0x138: {  	[tilespmem:s24], [sflag:$0x1] =	stream.indirect_vreg.gather [hbm4b:s1+s3], $0x80, v4, vm0, $0xb8;
	[tilespmem:$0x18200] =	vst v63  }
0x139: {  	v3 =	vperm.xlane v3, v2;
	s24 =	simm.s32 $0x4A00  }
0x13a: {  	[tilespmem:s24], [sflag:$0x1] =	stream.indirect_vreg.gather [hbm4b:s4+s3], $0x80, v4, vm0, $0xb8;
	[tilespmem:$0x18200] =	vst v63  }
0x13b: {  	v3 =	vadd.s32 v1, v3;
	s24 =	simm.s32 $0x5200  }
0x13c: {  	[tilespmem:s24], [sflag:$0x1] =	stream.indirect_vreg.gather [hbm4b:s5+s3], $0x80, v4, vm0, $0xb8;
	[tilespmem:$0x18200] =	vst v63  }
0x13d: {  	s24 =	simm.s32 $0x5A00  }
0x13e: {  	[tilespmem:s24], [sflag:$0x1] =	stream.indirect_vreg.gather [hbm4b:s6+s3], $0x80, v4, vm0, $0xb8;
	[tilespmem:$0x18200] =	vst v63  }
0x13f: {  	s24 =	simm.s32 $0x6200  }
0x140: {  	[tilespmem:s24], [sflag:$0x1] =	stream.indirect_vreg.gather [hbm4b:s1+s3], $0x80, v3, vm0, $0xb8;
	[tilespmem:$0x18200] =	vst v63  }
0x141: {  	s31 =	simm.s32 $0x6A00  }
0x142: {  	[tilespmem:s31], [sflag:$0x1] =	stream.indirect_vreg.gather [hbm4b:s4+s3], $0x80, v3, vm0, $0xb8;
	[tilespmem:$0x18200] =	vst v63  }
0x143: {  	s19 =	simm.s32 $0x7200  }
0x144: {  	[tilespmem:s19], [sflag:$0x1] =	stream.indirect_vreg.gather [hbm4b:s5+s3], $0x80, v3, vm0, $0xb8;
	[tilespmem:$0x18200] =	vst v63  }
0x145: {  	s30 =	simm.s32 $0x7A00  }
0x146: {  	[tilespmem:s30], [sflag:$0x1] =	stream.indirect_vreg.gather [hbm4b:s6+s3], $0x80, v3, vm0, $0xb8;
	[tilespmem:$0x18200] =	vst v63  }
0x147: {  	v3 =	vld [tilespmem:$0xE0];
	_ =	sdelay $0x4  }
0x148: {  	v46 =	vshll.u32 v3, $0x3  }
0x149: {  	v3 =	vand.u32 $0x7, v3;
	v4 =	vand.u32 $0xFFFFFFC0, v46  }
0x14a: {  	v3 =	vor.u32 v3, v4  }
0x14b: {  	v4 =	vperm.xlane v3, v0;
	_ =	sdelay $0x1  }
0x14c: {  	v4 =	vadd.s32 v1, v4;
	_ =	sdelay $0x3  }
0x14d: {  	s23 =	simm.s32 $0x8200  }
0x14e: {  	[tilespmem:s23], [sflag:$0x1] =	stream.indirect_vreg.gather [hbm4b:s1+s3], $0x80, v4, vm0, $0xb8;
	[tilespmem:$0x18200] =	vst v63  }
0x14f: {  	s26 =	simm.s32 $0x8A00;
	v3 =	vperm.xlane v3, v2  }
0x150: {  	[tilespmem:s26], [sflag:$0x1] =	stream.indirect_vreg.gather [hbm4b:s4+s3], $0x80, v4, vm0, $0xb8;
	[tilespmem:$0x18200] =	vst v63  }
0x151: {  	s10 =	simm.s32 $0x9200;
	v3 =	vadd.s32 v1, v3  }
0x152: {  	[tilespmem:s10], [sflag:$0x1] =	stream.indirect_vreg.gather [hbm4b:s5+s3], $0x80, v4, vm0, $0xb8;
	[tilespmem:$0x18200] =	vst v63  }
0x153: {  	s11 =	simm.s32 $0x9A00  }
0x154: {  	[tilespmem:s11], [sflag:$0x1] =	stream.indirect_vreg.gather [hbm4b:s6+s3], $0x80, v4, vm0, $0xb8;
	[tilespmem:$0x18200] =	vst v63  }
0x155: {  	s12 =	simm.s32 $0xA200  }
0x156: {  	[tilespmem:s12], [sflag:$0x1] =	stream.indirect_vreg.gather [hbm4b:s1+s3], $0x80, v3, vm0, $0xb8;
	[tilespmem:$0x18200] =	vst v63  }
0x157: {  	s13 =	simm.s32 $0xAA00  }
0x158: {  	[tilespmem:s13], [sflag:$0x1] =	stream.indirect_vreg.gather [hbm4b:s4+s3], $0x80, v3, vm0, $0xb8;
	[tilespmem:$0x18200] =	vst v63  }
0x159: {  	s14 =	simm.s32 $0xB200  }
0x15a: {  	[tilespmem:s14], [sflag:$0x1] =	stream.indirect_vreg.gather [hbm4b:s5+s3], $0x80, v3, vm0, $0xb8;
	[tilespmem:$0x18200] =	vst v63  }
0x15b: {  	s28 =	simm.s32 $0xBA00  }
0x15c: {  	[tilespmem:s28], [sflag:$0x1] =	stream.indirect_vreg.gather [hbm4b:s6+s3], $0x80, v3, vm0, $0xb8;
	[tilespmem:$0x18200] =	vst v63  }
0x15d: {  	v3 =	vld [tilespmem:$0xF0];
	_ =	sdelay $0x4  }
0x15e: {  	v47 =	vshll.u32 v3, $0x3  }
0x15f: {  	v3 =	vand.u32 $0x7, v3;
	v4 =	vand.u32 $0xFFFFFFC0, v47  }
0x160: {  	v3 =	vor.u32 v3, v4  }
0x161: {  	v4 =	vperm.xlane v3, v0;
	_ =	sdelay $0x1  }
0x162: {  	v4 =	vadd.s32 v1, v4;
	_ =	sdelay $0x3  }
0x163: {  	s9 =	simm.s32 $0xC200  }
0x164: {  	[tilespmem:s9], [sflag:$0x1] =	stream.indirect_vreg.gather [hbm4b:s1+s3], $0x80, v4, vm0, $0xb8;
	[tilespmem:$0x18200] =	vst v63  }
0x165: {  	s20 =	simm.s32 $0xCA00;
	v3 =	vperm.xlane v3, v2  }
0x166: {  	[tilespmem:s20], [sflag:$0x1] =	stream.indirect_vreg.gather [hbm4b:s4+s3], $0x80, v4, vm0, $0xb8;
	[tilespmem:$0x18200] =	vst v63  }
0x167: {  	s21 =	simm.s32 $0xD200;
	v3 =	vadd.s32 v1, v3  }
0x168: {  	[tilespmem:s21], [sflag:$0x1] =	stream.indirect_vreg.gather [hbm4b:s5+s3], $0x80, v4, vm0, $0xb8;
	[tilespmem:$0x18200] =	vst v63  }
0x169: {  	s29 =	simm.s32 $0xDA00  }
0x16a: {  	[tilespmem:s29], [sflag:$0x1] =	stream.indirect_vreg.gather [hbm4b:s6+s3], $0x80, v4, vm0, $0xb8;
	[tilespmem:$0x18200] =	vst v63  }
0x16b: {  	s0 =	simm.s32 $0xE200  }
0x16c: {  	[tilespmem:s0], [sflag:$0x1] =	stream.indirect_vreg.gather [hbm4b:s1+s3], $0x80, v3, vm0, $0xb8;
	[tilespmem:$0x18200] =	vst v63  }
0x16d: {  	s2 =	simm.s32 $0xEA00  }
0x16e: {  	[tilespmem:s2], [sflag:$0x1] =	stream.indirect_vreg.gather [hbm4b:s4+s3], $0x80, v3, vm0, $0xb8;
	[tilespmem:$0x18200] =	vst v63  }
0x16f: {  	s7 =	simm.s32 $0xF200  }
0x170: {  	[tilespmem:s7], [sflag:$0x1] =	stream.indirect_vreg.gather [hbm4b:s5+s3], $0x80, v3, vm0, $0xb8;
	[tilespmem:$0x18200] =	vst v63  }
0x171: {  	s15 =	simm.s32 $0xFA00  }
0x172: {  	[tilespmem:s15], [sflag:$0x1] =	stream.indirect_vreg.gather [hbm4b:s6+s3], $0x80, v3, vm0, $0xb8;
	[tilespmem:$0x18200] =	vst v63  }
0x173: {  	v3 =	vld [tilespmem:$0x100];
	_ =	sdelay $0x4  }
0x174: {  	v48 =	vshll.u32 v3, $0x3  }
0x175: {  	v3 =	vand.u32 $0x7, v3;
	v4 =	vand.u32 $0xFFFFFFC0, v48  }
0x176: {  	v3 =	vor.u32 v3, v4  }
0x177: {  	v4 =	vperm.xlane v3, v0;
	_ =	sdelay $0x1  }
0x178: {  	v4 =	vadd.s32 v1, v4;
	_ =	sdelay $0x3  }
0x179: {  	s8 =	simm.s32 $0x200  }
0x17a: {  	[tilespmem:s8], [sflag:$0x1] =	stream.indirect_vreg.gather [hbm4b:s1+s3], $0x80, v4, vm0, $0xb8;
	[tilespmem:$0x18200] =	vst v63  }
0x17b: {  	s29 =	simm.s32 $0xA00;
	v3 =	vperm.xlane v3, v2  }
0x17c: {  	[tilespmem:s29], [sflag:$0x1] =	stream.indirect_vreg.gather [hbm4b:s4+s3], $0x80, v4, vm0, $0xb8;
	[tilespmem:$0x18200] =	vst v63  }
0x17d: {  	v3 =	vadd.s32 v1, v3;
	s29 =	simm.s32 $0x1200  }
0x17e: {  	[tilespmem:s29], [sflag:$0x1] =	stream.indirect_vreg.gather [hbm4b:s5+s3], $0x80, v4, vm0, $0xb8;
	[tilespmem:$0x18200] =	vst v63  }
0x17f: {  	s25 =	simm.s32 $0x1A00  }
0x180: {  	[tilespmem:s25], [sflag:$0x1] =	stream.indirect_vreg.gather [hbm4b:s6+s3], $0x80, v4, vm0, $0xb8;
	[tilespmem:$0x18200] =	vst v63  }
0x181: {  	s16 =	simm.s32 $0x2200  }
0x182: {  	[tilespmem:s16], [sflag:$0x1] =	stream.indirect_vreg.gather [hbm4b:s1+s3], $0x80, v3, vm0, $0xb8;
	[tilespmem:$0x18200] =	vst v63  }
0x183: {  	s18 =	simm.s32 $0x2A00  }
0x184: {  	[tilespmem:s18], [sflag:$0x1] =	stream.indirect_vreg.gather [hbm4b:s4+s3], $0x80, v3, vm0, $0xb8;
	[tilespmem:$0x18200] =	vst v63  }
0x185: {  	s25 =	simm.s32 $0x3200  }
0x186: {  	[tilespmem:s25], [sflag:$0x1] =	stream.indirect_vreg.gather [hbm4b:s5+s3], $0x80, v3, vm0, $0xb8;
	[tilespmem:$0x18200] =	vst v63  }
0x187: {  	s25 =	simm.s32 $0x3A00  }
0x188: {  	[tilespmem:s25], [sflag:$0x1] =	stream.indirect_vreg.gather [hbm4b:s6+s3], $0x80, v3, vm0, $0xb8;
	[tilespmem:$0x18200] =	vst v63  }
0x189: {  	v3 =	vld [tilespmem:$0x110];
	_ =	sdelay $0x4  }
0x18a: {  	v49 =	vshll.u32 v3, $0x3  }
0x18b: {  	v3 =	vand.u32 $0x7, v3;
	v4 =	vand.u32 $0xFFFFFFC0, v49  }
0x18c: {  	v3 =	vor.u32 v3, v4  }
0x18d: {  	v4 =	vperm.xlane v3, v0;
	_ =	sdelay $0x1  }
0x18e: {  	v4 =	vadd.s32 v1, v4;
	_ =	sdelay $0x3  }
0x18f: {  	s25 =	simm.s32 $0x4200  }
0x190: {  	[tilespmem:s25], [sflag:$0x1] =	stream.indirect_vreg.gather [hbm4b:s1+s3], $0x80, v4, vm0, $0xb8;
	[tilespmem:$0x18200] =	vst v63  }
0x191: {  	v3 =	vperm.xlane v3, v2;
	s25 =	simm.s32 $0x4A00  }
0x192: {  	[tilespmem:s25], [sflag:$0x1] =	stream.indirect_vreg.gather [hbm4b:s4+s3], $0x80, v4, vm0, $0xb8;
	[tilespmem:$0x18200] =	vst v63  }
0x193: {  	v3 =	vadd.s32 v1, v3;
	s25 =	simm.s32 $0x5200  }
0x194: {  	[tilespmem:s25], [sflag:$0x1] =	stream.indirect_vreg.gather [hbm4b:s5+s3], $0x80, v4, vm0, $0xb8;
	[tilespmem:$0x18200] =	vst v63  }
0x195: {  	s25 =	simm.s32 $0x5A00  }
0x196: {  	[tilespmem:s25], [sflag:$0x1] =	stream.indirect_vreg.gather [hbm4b:s6+s3], $0x80, v4, vm0, $0xb8;
	[tilespmem:$0x18200] =	vst v63  }
0x197: {  	s22 =	simm.s32 $0x6200  }
0x198: {  	[tilespmem:s22], [sflag:$0x1] =	stream.indirect_vreg.gather [hbm4b:s1+s3], $0x80, v3, vm0, $0xb8;
	[tilespmem:$0x18200] =	vst v63  }
0x199: {  	s24 =	simm.s32 $0x6A00  }
0x19a: {  	[tilespmem:s24], [sflag:$0x1] =	stream.indirect_vreg.gather [hbm4b:s4+s3], $0x80, v3, vm0, $0xb8;
	[tilespmem:$0x18200] =	vst v63  }
0x19b: {  	s19 =	simm.s32 $0x7200  }
0x19c: {  	[tilespmem:s19], [sflag:$0x1] =	stream.indirect_vreg.gather [hbm4b:s5+s3], $0x80, v3, vm0, $0xb8;
	[tilespmem:$0x18200] =	vst v63  }
0x19d: {  	s25 =	simm.s32 $0x7A00  }
0x19e: {  	[tilespmem:s25], [sflag:$0x1] =	stream.indirect_vreg.gather [hbm4b:s6+s3], $0x80, v3, vm0, $0xb8;
	[tilespmem:$0x18200] =	vst v63  }
0x19f: {  	v3 =	vld [tilespmem:$0x120];
	_ =	sdelay $0x4  }
0x1a0: {  	v50 =	vshll.u32 v3, $0x3  }
0x1a1: {  	v3 =	vand.u32 $0x7, v3;
	v4 =	vand.u32 $0xFFFFFFC0, v50  }
0x1a2: {  	v3 =	vor.u32 v3, v4  }
0x1a3: {  	v4 =	vperm.xlane v3, v0;
	_ =	sdelay $0x1  }
0x1a4: {  	v4 =	vadd.s32 v1, v4;
	_ =	sdelay $0x3  }
0x1a5: {  	s31 =	simm.s32 $0x8200  }
0x1a6: {  	[tilespmem:s31], [sflag:$0x1] =	stream.indirect_vreg.gather [hbm4b:s1+s3], $0x80, v4, vm0, $0xb8;
	[tilespmem:$0x18200] =	vst v63  }
0x1a7: {  	s26 =	simm.s32 $0x8A00;
	v3 =	vperm.xlane v3, v2  }
0x1a8: {  	[tilespmem:s26], [sflag:$0x1] =	stream.indirect_vreg.gather [hbm4b:s4+s3], $0x80, v4, vm0, $0xb8;
	[tilespmem:$0x18200] =	vst v63  }
0x1a9: {  	s10 =	simm.s32 $0x9200;
	v3 =	vadd.s32 v1, v3  }
0x1aa: {  	[tilespmem:s10], [sflag:$0x1] =	stream.indirect_vreg.gather [hbm4b:s5+s3], $0x80, v4, vm0, $0xb8;
	[tilespmem:$0x18200] =	vst v63  }
0x1ab: {  	s11 =	simm.s32 $0x9A00  }
0x1ac: {  	[tilespmem:s11], [sflag:$0x1] =	stream.indirect_vreg.gather [hbm4b:s6+s3], $0x80, v4, vm0, $0xb8;
	[tilespmem:$0x18200] =	vst v63  }
0x1ad: {  	s12 =	simm.s32 $0xA200  }
0x1ae: {  	[tilespmem:s12], [sflag:$0x1] =	stream.indirect_vreg.gather [hbm4b:s1+s3], $0x80, v3, vm0, $0xb8;
	[tilespmem:$0x18200] =	vst v63  }
0x1af: {  	s13 =	simm.s32 $0xAA00  }
0x1b0: {  	[tilespmem:s13], [sflag:$0x1] =	stream.indirect_vreg.gather [hbm4b:s4+s3], $0x80, v3, vm0, $0xb8;
	[tilespmem:$0x18200] =	vst v63  }
0x1b1: {  	s14 =	simm.s32 $0xB200  }
0x1b2: {  	[tilespmem:s14], [sflag:$0x1] =	stream.indirect_vreg.gather [hbm4b:s5+s3], $0x80, v3, vm0, $0xb8;
	[tilespmem:$0x18200] =	vst v63  }
0x1b3: {  	s30 =	simm.s32 $0xBA00  }
0x1b4: {  	[tilespmem:s30], [sflag:$0x1] =	stream.indirect_vreg.gather [hbm4b:s6+s3], $0x80, v3, vm0, $0xb8;
	[tilespmem:$0x18200] =	vst v63  }
0x1b5: {  	v3 =	vld [tilespmem:$0x130];
	_ =	sdelay $0x4  }
0x1b6: {  	v51 =	vshll.u32 v3, $0x3  }
0x1b7: {  	v3 =	vand.u32 $0x7, v3;
	v4 =	vand.u32 $0xFFFFFFC0, v51  }
0x1b8: {  	v3 =	vor.u32 v3, v4  }
0x1b9: {  	v4 =	vperm.xlane v3, v0;
	_ =	sdelay $0x1  }
0x1ba: {  	v4 =	vadd.s32 v1, v4;
	_ =	sdelay $0x3  }
0x1bb: {  	s23 =	simm.s32 $0xC200  }
0x1bc: {  	[tilespmem:s23], [sflag:$0x1] =	stream.indirect_vreg.gather [hbm4b:s1+s3], $0x80, v4, vm0, $0xb8;
	[tilespmem:$0x18200] =	vst v63  }
0x1bd: {  	s9 =	simm.s32 $0xCA00;
	v3 =	vperm.xlane v3, v2  }
0x1be: {  	[tilespmem:s9], [sflag:$0x1] =	stream.indirect_vreg.gather [hbm4b:s4+s3], $0x80, v4, vm0, $0xb8;
	[tilespmem:$0x18200] =	vst v63  }
0x1bf: {  	s20 =	simm.s32 $0xD200;
	v3 =	vadd.s32 v1, v3  }
0x1c0: {  	[tilespmem:s20], [sflag:$0x1] =	stream.indirect_vreg.gather [hbm4b:s5+s3], $0x80, v4, vm0, $0xb8;
	[tilespmem:$0x18200] =	vst v63  }
0x1c1: {  	s28 =	simm.s32 $0xDA00  }
0x1c2: {  	[tilespmem:s28], [sflag:$0x1] =	stream.indirect_vreg.gather [hbm4b:s6+s3], $0x80, v4, vm0, $0xb8;
	[tilespmem:$0x18200] =	vst v63  }
0x1c3: {  	s21 =	simm.s32 $0xE200  }
0x1c4: {  	[tilespmem:s21], [sflag:$0x1] =	stream.indirect_vreg.gather [hbm4b:s1+s3], $0x80, v3, vm0, $0xb8;
	[tilespmem:$0x18200] =	vst v63  }
0x1c5: {  	s2 =	simm.s32 $0xEA00  }
0x1c6: {  	[tilespmem:s2], [sflag:$0x1] =	stream.indirect_vreg.gather [hbm4b:s4+s3], $0x80, v3, vm0, $0xb8;
	[tilespmem:$0x18200] =	vst v63  }
0x1c7: {  	s7 =	simm.s32 $0xF200  }
0x1c8: {  	[tilespmem:s7], [sflag:$0x1] =	stream.indirect_vreg.gather [hbm4b:s5+s3], $0x80, v3, vm0, $0xb8;
	[tilespmem:$0x18200] =	vst v63  }
0x1c9: {  	s15 =	simm.s32 $0xFA00  }
0x1ca: {  	[tilespmem:s15], [sflag:$0x1] =	stream.indirect_vreg.gather [hbm4b:s6+s3], $0x80, v3, vm0, $0xb8;
	[tilespmem:$0x18200] =	vst v63  }
0x1cb: {  	v3 =	vld [tilespmem:$0x140];
	_ =	sdelay $0x4  }
0x1cc: {  	v52 =	vshll.u32 v3, $0x3  }
0x1cd: {  	v3 =	vand.u32 $0x7, v3;
	v4 =	vand.u32 $0xFFFFFFC0, v52  }
0x1ce: {  	v3 =	vor.u32 v3, v4  }
0x1cf: {  	v4 =	vperm.xlane v3, v0;
	_ =	sdelay $0x1  }
0x1d0: {  	v4 =	vadd.s32 v1, v4;
	_ =	sdelay $0x3  }
0x1d1: {  	s0 =	simm.s32 $0x200  }
0x1d2: {  	[tilespmem:s0], [sflag:$0x1] =	stream.indirect_vreg.gather [hbm4b:s1+s3], $0x80, v4, vm0, $0xb8;
	[tilespmem:$0x18200] =	vst v63  }
0x1d3: {  	s28 =	simm.s32 $0xA00;
	v3 =	vperm.xlane v3, v2  }
0x1d4: {  	[tilespmem:s28], [sflag:$0x1] =	stream.indirect_vreg.gather [hbm4b:s4+s3], $0x80, v4, vm0, $0xb8;
	[tilespmem:$0x18200] =	vst v63  }
0x1d5: {  	v3 =	vadd.s32 v1, v3;
	s28 =	simm.s32 $0x1200  }
0x1d6: {  	[tilespmem:s28], [sflag:$0x1] =	stream.indirect_vreg.gather [hbm4b:s5+s3], $0x80, v4, vm0, $0xb8;
	[tilespmem:$0x18200] =	vst v63  }
0x1d7: {  	s8 =	simm.s32 $0x1A00  }
0x1d8: {  	[tilespmem:s8], [sflag:$0x1] =	stream.indirect_vreg.gather [hbm4b:s6+s3], $0x80, v4, vm0, $0xb8;
	[tilespmem:$0x18200] =	vst v63  }
0x1d9: {  	s29 =	simm.s32 $0x2200  }
0x1da: {  	[tilespmem:s29], [sflag:$0x1] =	stream.indirect_vreg.gather [hbm4b:s1+s3], $0x80, v3, vm0, $0xb8;
	[tilespmem:$0x18200] =	vst v63  }
0x1db: {  	s16 =	simm.s32 $0x2A00  }
0x1dc: {  	[tilespmem:s16], [sflag:$0x1] =	stream.indirect_vreg.gather [hbm4b:s4+s3], $0x80, v3, vm0, $0xb8;
	[tilespmem:$0x18200] =	vst v63  }
0x1dd: {  	s16 =	simm.s32 $0x3200  }
0x1de: {  	[tilespmem:s16], [sflag:$0x1] =	stream.indirect_vreg.gather [hbm4b:s5+s3], $0x80, v3, vm0, $0xb8;
	[tilespmem:$0x18200] =	vst v63  }
0x1df: {  	s28 =	simm.s32 $0x3A00  }
0x1e0: {  	[tilespmem:s28], [sflag:$0x1] =	stream.indirect_vreg.gather [hbm4b:s6+s3], $0x80, v3, vm0, $0xb8;
	[tilespmem:$0x18200] =	vst v63  }
0x1e1: {  	v3 =	vld [tilespmem:$0x150];
	_ =	sdelay $0x4  }
0x1e2: {  	v53 =	vshll.u32 v3, $0x3  }
0x1e3: {  	v3 =	vand.u32 $0x7, v3;
	v4 =	vand.u32 $0xFFFFFFC0, v53  }
0x1e4: {  	v3 =	vor.u32 v3, v4  }
0x1e5: {  	v4 =	vperm.xlane v3, v0;
	_ =	sdelay $0x1  }
0x1e6: {  	v4 =	vadd.s32 v1, v4;
	_ =	sdelay $0x3  }
0x1e7: {  	s29 =	simm.s32 $0x4200  }
0x1e8: {  	[tilespmem:s29], [sflag:$0x1] =	stream.indirect_vreg.gather [hbm4b:s1+s3], $0x80, v4, vm0, $0xb8;
	[tilespmem:$0x18200] =	vst v63  }
0x1e9: {  	s16 =	simm.s32 $0x4A00;
	v3 =	vperm.xlane v3, v2  }
0x1ea: {  	[tilespmem:s16], [sflag:$0x1] =	stream.indirect_vreg.gather [hbm4b:s4+s3], $0x80, v4, vm0, $0xb8;
	[tilespmem:$0x18200] =	vst v63  }
0x1eb: {  	s28 =	simm.s32 $0x5200;
	v3 =	vadd.s32 v1, v3  }
0x1ec: {  	[tilespmem:s28], [sflag:$0x1] =	stream.indirect_vreg.gather [hbm4b:s5+s3], $0x80, v4, vm0, $0xb8;
	[tilespmem:$0x18200] =	vst v63  }
0x1ed: {  	s29 =	simm.s32 $0x5A00  }
0x1ee: {  	[tilespmem:s29], [sflag:$0x1] =	stream.indirect_vreg.gather [hbm4b:s6+s3], $0x80, v4, vm0, $0xb8;
	[tilespmem:$0x18200] =	vst v63  }
0x1ef: {  	s18 =	simm.s32 $0x6200  }
0x1f0: {  	[tilespmem:s18], [sflag:$0x1] =	stream.indirect_vreg.gather [hbm4b:s1+s3], $0x80, v3, vm0, $0xb8;
	[tilespmem:$0x18200] =	vst v63  }
0x1f1: {  	s22 =	simm.s32 $0x6A00  }
0x1f2: {  	[tilespmem:s22], [sflag:$0x1] =	stream.indirect_vreg.gather [hbm4b:s4+s3], $0x80, v3, vm0, $0xb8;
	[tilespmem:$0x18200] =	vst v63  }
0x1f3: {  	s19 =	simm.s32 $0x7200  }
0x1f4: {  	[tilespmem:s19], [sflag:$0x1] =	stream.indirect_vreg.gather [hbm4b:s5+s3], $0x80, v3, vm0, $0xb8;
	[tilespmem:$0x18200] =	vst v63  }
0x1f5: {  	s25 =	simm.s32 $0x7A00  }
0x1f6: {  	[tilespmem:s25], [sflag:$0x1] =	stream.indirect_vreg.gather [hbm4b:s6+s3], $0x80, v3, vm0, $0xb8;
	[tilespmem:$0x18200] =	vst v63  }
0x1f7: {  	v3 =	vld [tilespmem:$0x160];
	_ =	sdelay $0x4  }
0x1f8: {  	v54 =	vshll.u32 v3, $0x3  }
0x1f9: {  	v3 =	vand.u32 $0x7, v3;
	v4 =	vand.u32 $0xFFFFFFC0, v54  }
0x1fa: {  	v3 =	vor.u32 v3, v4  }
0x1fb: {  	v4 =	vperm.xlane v3, v0;
	_ =	sdelay $0x1  }
0x1fc: {  	v4 =	vadd.s32 v1, v4;
	_ =	sdelay $0x3  }
0x1fd: {  	s24 =	simm.s32 $0x8200  }
0x1fe: {  	[tilespmem:s24], [sflag:$0x1] =	stream.indirect_vreg.gather [hbm4b:s1+s3], $0x80, v4, vm0, $0xb8;
	[tilespmem:$0x18200] =	vst v63  }
0x1ff: {  	s26 =	simm.s32 $0x8A00;
	v3 =	vperm.xlane v3, v2  }
0x200: {  	[tilespmem:s26], [sflag:$0x1] =	stream.indirect_vreg.gather [hbm4b:s4+s3], $0x80, v4, vm0, $0xb8;
	[tilespmem:$0x18200] =	vst v63  }
0x201: {  	s10 =	simm.s32 $0x9200;
	v3 =	vadd.s32 v1, v3  }
0x202: {  	[tilespmem:s10], [sflag:$0x1] =	stream.indirect_vreg.gather [hbm4b:s5+s3], $0x80, v4, vm0, $0xb8;
	[tilespmem:$0x18200] =	vst v63  }
0x203: {  	s11 =	simm.s32 $0x9A00  }
0x204: {  	[tilespmem:s11], [sflag:$0x1] =	stream.indirect_vreg.gather [hbm4b:s6+s3], $0x80, v4, vm0, $0xb8;
	[tilespmem:$0x18200] =	vst v63  }
0x205: {  	s12 =	simm.s32 $0xA200  }
0x206: {  	[tilespmem:s12], [sflag:$0x1] =	stream.indirect_vreg.gather [hbm4b:s1+s3], $0x80, v3, vm0, $0xb8;
	[tilespmem:$0x18200] =	vst v63  }
0x207: {  	s13 =	simm.s32 $0xAA00  }
0x208: {  	[tilespmem:s13], [sflag:$0x1] =	stream.indirect_vreg.gather [hbm4b:s4+s3], $0x80, v3, vm0, $0xb8;
	[tilespmem:$0x18200] =	vst v63  }
0x209: {  	s14 =	simm.s32 $0xB200  }
0x20a: {  	[tilespmem:s14], [sflag:$0x1] =	stream.indirect_vreg.gather [hbm4b:s5+s3], $0x80, v3, vm0, $0xb8;
	[tilespmem:$0x18200] =	vst v63  }
0x20b: {  	s31 =	simm.s32 $0xBA00  }
0x20c: {  	[tilespmem:s31], [sflag:$0x1] =	stream.indirect_vreg.gather [hbm4b:s6+s3], $0x80, v3, vm0, $0xb8;
	[tilespmem:$0x18200] =	vst v63  }
0x20d: {  	v3 =	vld [tilespmem:$0x170];
	_ =	sdelay $0x4  }
0x20e: {  	v55 =	vshll.u32 v3, $0x3  }
0x20f: {  	v3 =	vand.u32 $0x7, v3;
	v4 =	vand.u32 $0xFFFFFFC0, v55  }
0x210: {  	v3 =	vor.u32 v3, v4  }
0x211: {  	v4 =	vperm.xlane v3, v0;
	_ =	sdelay $0x1  }
0x212: {  	v4 =	vadd.s32 v1, v4;
	_ =	sdelay $0x3  }
0x213: {  	s23 =	simm.s32 $0xC200  }
0x214: {  	[tilespmem:s23], [sflag:$0x1] =	stream.indirect_vreg.gather [hbm4b:s1+s3], $0x80, v4, vm0, $0xb8;
	[tilespmem:$0x18200] =	vst v63  }
0x215: {  	s31 =	simm.s32 $0xCA00;
	v3 =	vperm.xlane v3, v2  }
0x216: {  	[tilespmem:s31], [sflag:$0x1] =	stream.indirect_vreg.gather [hbm4b:s4+s3], $0x80, v4, vm0, $0xb8;
	[tilespmem:$0x18200] =	vst v63  }
0x217: {  	s20 =	simm.s32 $0xD200;
	v3 =	vadd.s32 v1, v3  }
0x218: {  	[tilespmem:s20], [sflag:$0x1] =	stream.indirect_vreg.gather [hbm4b:s5+s3], $0x80, v4, vm0, $0xb8;
	[tilespmem:$0x18200] =	vst v63  }
0x219: {  	s9 =	simm.s32 $0xDA00  }
0x21a: {  	[tilespmem:s9], [sflag:$0x1] =	stream.indirect_vreg.gather [hbm4b:s6+s3], $0x80, v4, vm0, $0xb8;
	[tilespmem:$0x18200] =	vst v63  }
0x21b: {  	s21 =	simm.s32 $0xE200  }
0x21c: {  	[tilespmem:s21], [sflag:$0x1] =	stream.indirect_vreg.gather [hbm4b:s1+s3], $0x80, v3, vm0, $0xb8;
	[tilespmem:$0x18200] =	vst v63  }
0x21d: {  	s2 =	simm.s32 $0xEA00  }
0x21e: {  	[tilespmem:s2], [sflag:$0x1] =	stream.indirect_vreg.gather [hbm4b:s4+s3], $0x80, v3, vm0, $0xb8;
	[tilespmem:$0x18200] =	vst v63  }
0x21f: {  	s30 =	simm.s32 $0xF200  }
0x220: {  	[tilespmem:s30], [sflag:$0x1] =	stream.indirect_vreg.gather [hbm4b:s5+s3], $0x80, v3, vm0, $0xb8;
	[tilespmem:$0x18200] =	vst v63  }
0x221: {  	s7 =	simm.s32 $0xFA00  }
0x222: {  	[tilespmem:s7], [sflag:$0x1] =	stream.indirect_vreg.gather [hbm4b:s6+s3], $0x80, v3, vm0, $0xb8;
	[tilespmem:$0x18200] =	vst v63  }
0x223: {  	v3 =	vld [tilespmem:$0x180];
	_ =	sdelay $0x4  }
0x224: {  	v56 =	vshll.u32 v3, $0x3  }
0x225: {  	v3 =	vand.u32 $0x7, v3;
	v4 =	vand.u32 $0xFFFFFFC0, v56  }
0x226: {  	v3 =	vor.u32 v3, v4  }
0x227: {  	v4 =	vperm.xlane v3, v0;
	_ =	sdelay $0x1  }
0x228: {  	v4 =	vadd.s32 v1, v4;
	_ =	sdelay $0x3  }
0x229: {  	s0 =	simm.s32 $0x200  }
0x22a: {  	[tilespmem:s0], [sflag:$0x1] =	stream.indirect_vreg.gather [hbm4b:s1+s3], $0x80, v4, vm0, $0xb8;
	[tilespmem:$0x18200] =	vst v63  }
0x22b: {  	s7 =	simm.s32 $0xA00;
	v3 =	vperm.xlane v3, v2  }
0x22c: {  	[tilespmem:s7], [sflag:$0x1] =	stream.indirect_vreg.gather [hbm4b:s4+s3], $0x80, v4, vm0, $0xb8;
	[tilespmem:$0x18200] =	vst v63  }
0x22d: {  	s29 =	simm.s32 $0x1200;
	v3 =	vadd.s32 v1, v3  }
0x22e: {  	[tilespmem:s29], [sflag:$0x1] =	stream.indirect_vreg.gather [hbm4b:s5+s3], $0x80, v4, vm0, $0xb8;
	[tilespmem:$0x18200] =	vst v63  }
0x22f: {  	s30 =	simm.s32 $0x1A00  }
0x230: {  	[tilespmem:s30], [sflag:$0x1] =	stream.indirect_vreg.gather [hbm4b:s6+s3], $0x80, v4, vm0, $0xb8;
	[tilespmem:$0x18200] =	vst v63  }
0x231: {  	s2 =	simm.s32 $0x2200  }
0x232: {  	[tilespmem:s2], [sflag:$0x1] =	stream.indirect_vreg.gather [hbm4b:s1+s3], $0x80, v3, vm0, $0xb8;
	[tilespmem:$0x18200] =	vst v63  }
0x233: {  	s15 =	simm.s32 $0x2A00  }
0x234: {  	[tilespmem:s15], [sflag:$0x1] =	stream.indirect_vreg.gather [hbm4b:s4+s3], $0x80, v3, vm0, $0xb8;
	[tilespmem:$0x18200] =	vst v63  }
0x235: {  	s7 =	simm.s32 $0x3200  }
0x236: {  	[tilespmem:s7], [sflag:$0x1] =	stream.indirect_vreg.gather [hbm4b:s5+s3], $0x80, v3, vm0, $0xb8;
	[tilespmem:$0x18200] =	vst v63  }
0x237: {  	s15 =	simm.s32 $0x3A00  }
0x238: {  	[tilespmem:s15], [sflag:$0x1] =	stream.indirect_vreg.gather [hbm4b:s6+s3], $0x80, v3, vm0, $0xb8;
	[tilespmem:$0x18200] =	vst v63  }
0x239: {  	v3 =	vld [tilespmem:$0x190];
	_ =	sdelay $0x4  }
0x23a: {  	v57 =	vshll.u32 v3, $0x3  }
0x23b: {  	v3 =	vand.u32 $0x7, v3;
	v4 =	vand.u32 $0xFFFFFFC0, v57  }
0x23c: {  	v3 =	vor.u32 v3, v4  }
0x23d: {  	v4 =	vperm.xlane v3, v0;
	_ =	sdelay $0x1  }
0x23e: {  	v4 =	vadd.s32 v1, v4;
	_ =	sdelay $0x3  }
0x23f: {  	s7 =	simm.s32 $0x4200  }
0x240: {  	[tilespmem:s7], [sflag:$0x1] =	stream.indirect_vreg.gather [hbm4b:s1+s3], $0x80, v4, vm0, $0xb8;
	[tilespmem:$0x18200] =	vst v63  }
0x241: {  	s15 =	simm.s32 $0x4A00;
	v3 =	vperm.xlane v3, v2  }
0x242: {  	[tilespmem:s15], [sflag:$0x1] =	stream.indirect_vreg.gather [hbm4b:s4+s3], $0x80, v4, vm0, $0xb8;
	[tilespmem:$0x18200] =	vst v63  }
0x243: {  	v3 =	vadd.s32 v1, v3;
	s7 =	simm.s32 $0x5200  }
0x244: {  	[tilespmem:s7], [sflag:$0x1] =	stream.indirect_vreg.gather [hbm4b:s5+s3], $0x80, v4, vm0, $0xb8;
	[tilespmem:$0x18200] =	vst v63  }
0x245: {  	s15 =	simm.s32 $0x5A00  }
0x246: {  	[tilespmem:s15], [sflag:$0x1] =	stream.indirect_vreg.gather [hbm4b:s6+s3], $0x80, v4, vm0, $0xb8;
	[tilespmem:$0x18200] =	vst v63  }
0x247: {  	s16 =	simm.s32 $0x6200  }
0x248: {  	[tilespmem:s16], [sflag:$0x1] =	stream.indirect_vreg.gather [hbm4b:s1+s3], $0x80, v3, vm0, $0xb8;
	[tilespmem:$0x18200] =	vst v63  }
0x249: {  	s22 =	simm.s32 $0x6A00  }
0x24a: {  	[tilespmem:s22], [sflag:$0x1] =	stream.indirect_vreg.gather [hbm4b:s4+s3], $0x80, v3, vm0, $0xb8;
	[tilespmem:$0x18200] =	vst v63  }
0x24b: {  	s18 =	simm.s32 $0x7200  }
0x24c: {  	[tilespmem:s18], [sflag:$0x1] =	stream.indirect_vreg.gather [hbm4b:s5+s3], $0x80, v3, vm0, $0xb8;
	[tilespmem:$0x18200] =	vst v63  }
0x24d: {  	s19 =	simm.s32 $0x7A00  }
0x24e: {  	[tilespmem:s19], [sflag:$0x1] =	stream.indirect_vreg.gather [hbm4b:s6+s3], $0x80, v3, vm0, $0xb8;
	[tilespmem:$0x18200] =	vst v63  }
0x24f: {  	v3 =	vld [tilespmem:$0x1A0];
	_ =	sdelay $0x4  }
0x250: {  	v58 =	vshll.u32 v3, $0x3  }
0x251: {  	v3 =	vand.u32 $0x7, v3;
	v4 =	vand.u32 $0xFFFFFFC0, v58  }
0x252: {  	v3 =	vor.u32 v3, v4  }
0x253: {  	v4 =	vperm.xlane v3, v0;
	_ =	sdelay $0x1  }
0x254: {  	v4 =	vadd.s32 v1, v4;
	_ =	sdelay $0x3  }
0x255: {  	s24 =	simm.s32 $0x8200  }
0x256: {  	[tilespmem:s24], [sflag:$0x1] =	stream.indirect_vreg.gather [hbm4b:s1+s3], $0x80, v4, vm0, $0xb8;
	[tilespmem:$0x18200] =	vst v63  }
0x257: {  	s26 =	simm.s32 $0x8A00;
	v3 =	vperm.xlane v3, v2  }
0x258: {  	[tilespmem:s26], [sflag:$0x1] =	stream.indirect_vreg.gather [hbm4b:s4+s3], $0x80, v4, vm0, $0xb8;
	[tilespmem:$0x18200] =	vst v63  }
0x259: {  	s28 =	simm.s32 $0x9200;
	v3 =	vadd.s32 v1, v3  }
0x25a: {  	[tilespmem:s28], [sflag:$0x1] =	stream.indirect_vreg.gather [hbm4b:s5+s3], $0x80, v4, vm0, $0xb8;
	[tilespmem:$0x18200] =	vst v63  }
0x25b: {  	s11 =	simm.s32 $0x9A00  }
0x25c: {  	[tilespmem:s11], [sflag:$0x1] =	stream.indirect_vreg.gather [hbm4b:s6+s3], $0x80, v4, vm0, $0xb8;
	[tilespmem:$0x18200] =	vst v63  }
0x25d: {  	s12 =	simm.s32 $0xA200  }
0x25e: {  	[tilespmem:s12], [sflag:$0x1] =	stream.indirect_vreg.gather [hbm4b:s1+s3], $0x80, v3, vm0, $0xb8;
	[tilespmem:$0x18200] =	vst v63  }
0x25f: {  	s13 =	simm.s32 $0xAA00  }
0x260: {  	[tilespmem:s13], [sflag:$0x1] =	stream.indirect_vreg.gather [hbm4b:s4+s3], $0x80, v3, vm0, $0xb8;
	[tilespmem:$0x18200] =	vst v63  }
0x261: {  	s14 =	simm.s32 $0xB200  }
0x262: {  	[tilespmem:s14], [sflag:$0x1] =	stream.indirect_vreg.gather [hbm4b:s5+s3], $0x80, v3, vm0, $0xb8;
	[tilespmem:$0x18200] =	vst v63  }
0x263: {  	s22 =	simm.s32 $0xBA00  }
0x264: {  	[tilespmem:s22], [sflag:$0x1] =	stream.indirect_vreg.gather [hbm4b:s6+s3], $0x80, v3, vm0, $0xb8;
	[tilespmem:$0x18200] =	vst v63  }
0x265: {  	v3 =	vld [tilespmem:$0x1B0];
	_ =	sdelay $0x4  }
0x266: {  	v59 =	vshll.u32 v3, $0x3  }
0x267: {  	v3 =	vand.u32 $0x7, v3;
	v4 =	vand.u32 $0xFFFFFFC0, v59  }
0x268: {  	v3 =	vor.u32 v3, v4  }
0x269: {  	v4 =	vperm.xlane v3, v0;
	_ =	sdelay $0x1  }
0x26a: {  	v4 =	vadd.s32 v1, v4;
	_ =	sdelay $0x3  }
0x26b: {  	s23 =	simm.s32 $0xC200  }
0x26c: {  	[tilespmem:s23], [sflag:$0x1] =	stream.indirect_vreg.gather [hbm4b:s1+s3], $0x80, v4, vm0, $0xb8;
	[tilespmem:$0x18200] =	vst v63  }
0x26d: {  	s8 =	simm.s32 $0xCA00;
	v3 =	vperm.xlane v3, v2  }
0x26e: {  	[tilespmem:s8], [sflag:$0x1] =	stream.indirect_vreg.gather [hbm4b:s4+s3], $0x80, v4, vm0, $0xb8;
	[tilespmem:$0x18200] =	vst v63  }
0x26f: {  	s10 =	simm.s32 $0xD200;
	v3 =	vadd.s32 v1, v3  }
0x270: {  	[tilespmem:s10], [sflag:$0x1] =	stream.indirect_vreg.gather [hbm4b:s5+s3], $0x80, v4, vm0, $0xb8;
	[tilespmem:$0x18200] =	vst v63  }
0x271: {  	s20 =	simm.s32 $0xDA00  }
0x272: {  	[tilespmem:s20], [sflag:$0x1] =	stream.indirect_vreg.gather [hbm4b:s6+s3], $0x80, v4, vm0, $0xb8;
	[tilespmem:$0x18200] =	vst v63  }
0x273: {  	s21 =	simm.s32 $0xE200  }
0x274: {  	[tilespmem:s21], [sflag:$0x1] =	stream.indirect_vreg.gather [hbm4b:s1+s3], $0x80, v3, vm0, $0xb8;
	[tilespmem:$0x18200] =	vst v63  }
0x275: {  	s25 =	simm.s32 $0xEA00  }
0x276: {  	[tilespmem:s25], [sflag:$0x1] =	stream.indirect_vreg.gather [hbm4b:s4+s3], $0x80, v3, vm0, $0xb8;
	[tilespmem:$0x18200] =	vst v63  }
0x277: {  	s25 =	simm.s32 $0xF200  }
0x278: {  	[tilespmem:s25], [sflag:$0x1] =	stream.indirect_vreg.gather [hbm4b:s5+s3], $0x80, v3, vm0, $0xb8;
	[tilespmem:$0x18200] =	vst v63  }
0x279: {  	s31 =	simm.s32 $0xFA00  }
0x27a: {  	[tilespmem:s31], [sflag:$0x1] =	stream.indirect_vreg.gather [hbm4b:s6+s3], $0x80, v3, vm0, $0xb8;
	[tilespmem:$0x18200] =	vst v63  }
0x27b: {  	v3 =	vld [tilespmem:$0x1C0];
	_ =	sdelay $0x4  }
0x27c: {  	v60 =	vshll.u32 v3, $0x3  }
0x27d: {  	v3 =	vand.u32 $0x7, v3;
	v4 =	vand.u32 $0xFFFFFFC0, v60  }
0x27e: {  	v3 =	vor.u32 v3, v4  }
0x27f: {  	v4 =	vperm.xlane v3, v0;
	_ =	sdelay $0x1  }
0x280: {  	v4 =	vadd.s32 v1, v4;
	_ =	sdelay $0x3  }
0x281: {  	s9 =	simm.s32 $0x200  }
0x282: {  	[tilespmem:s9], [sflag:$0x1] =	stream.indirect_vreg.gather [hbm4b:s1+s3], $0x80, v4, vm0, $0xb8;
	[tilespmem:$0x18200] =	vst v63  }
0x283: {  	s31 =	simm.s32 $0xA00;
	v3 =	vperm.xlane v3, v2  }
0x284: {  	[tilespmem:s31], [sflag:$0x1] =	stream.indirect_vreg.gather [hbm4b:s4+s3], $0x80, v4, vm0, $0xb8;
	[tilespmem:$0x18200] =	vst v63  }
0x285: {  	v3 =	vadd.s32 v1, v3;
	s31 =	simm.s32 $0x1200  }
0x286: {  	[tilespmem:s31], [sflag:$0x1] =	stream.indirect_vreg.gather [hbm4b:s5+s3], $0x80, v4, vm0, $0xb8;
	[tilespmem:$0x18200] =	vst v63  }
0x287: {  	s29 =	simm.s32 $0x1A00  }
0x288: {  	[tilespmem:s29], [sflag:$0x1] =	stream.indirect_vreg.gather [hbm4b:s6+s3], $0x80, v4, vm0, $0xb8;
	[tilespmem:$0x18200] =	vst v63  }
0x289: {  	s30 =	simm.s32 $0x2200  }
0x28a: {  	[tilespmem:s30], [sflag:$0x1] =	stream.indirect_vreg.gather [hbm4b:s1+s3], $0x80, v3, vm0, $0xb8;
	[tilespmem:$0x18200] =	vst v63  }
0x28b: {  	s2 =	simm.s32 $0x2A00  }
0x28c: {  	[tilespmem:s2], [sflag:$0x1] =	stream.indirect_vreg.gather [hbm4b:s4+s3], $0x80, v3, vm0, $0xb8;
	[tilespmem:$0x18200] =	vst v63  }
0x28d: {  	s31 =	simm.s32 $0x3200  }
0x28e: {  	[tilespmem:s31], [sflag:$0x1] =	stream.indirect_vreg.gather [hbm4b:s5+s3], $0x80, v3, vm0, $0xb8;
	[tilespmem:$0x18200] =	vst v63  }
0x28f: {  	s9 =	simm.s32 $0x3A00  }
0x290: {  	[tilespmem:s9], [sflag:$0x1] =	stream.indirect_vreg.gather [hbm4b:s6+s3], $0x80, v3, vm0, $0xb8;
	[tilespmem:$0x18200] =	vst v63  }
0x291: {  	v3 =	vld [tilespmem:$0x1D0];
	_ =	sdelay $0x4  }
0x292: {  	v61 =	vshll.u32 v3, $0x3  }
0x293: {  	v3 =	vand.u32 $0x7, v3;
	v4 =	vand.u32 $0xFFFFFFC0, v61  }
0x294: {  	v3 =	vor.u32 v3, v4  }
0x295: {  	v4 =	vperm.xlane v3, v0;
	_ =	sdelay $0x1  }
0x296: {  	v4 =	vadd.s32 v1, v4;
	_ =	sdelay $0x3  }
0x297: {  	s29 =	simm.s32 $0x4200  }
0x298: {  	[tilespmem:s29], [sflag:$0x1] =	stream.indirect_vreg.gather [hbm4b:s1+s3], $0x80, v4, vm0, $0xb8;
	[tilespmem:$0x18200] =	vst v63  }
0x299: {  	s30 =	simm.s32 $0x4A00;
	v3 =	vperm.xlane v3, v2  }
0x29a: {  	[tilespmem:s30], [sflag:$0x1] =	stream.indirect_vreg.gather [hbm4b:s4+s3], $0x80, v4, vm0, $0xb8;
	[tilespmem:$0x18200] =	vst v63  }
0x29b: {  	s31 =	simm.s32 $0x5200;
	v3 =	vadd.s32 v1, v3  }
0x29c: {  	[tilespmem:s31], [sflag:$0x1] =	stream.indirect_vreg.gather [hbm4b:s5+s3], $0x80, v4, vm0, $0xb8;
	[tilespmem:$0x18200] =	vst v63  }
0x29d: {  	s9 =	simm.s32 $0x5A00  }
0x29e: {  	[tilespmem:s9], [sflag:$0x1] =	stream.indirect_vreg.gather [hbm4b:s6+s3], $0x80, v4, vm0, $0xb8;
	[tilespmem:$0x18200] =	vst v63  }
0x29f: {  	s15 =	simm.s32 $0x6200  }
0x2a0: {  	[tilespmem:s15], [sflag:$0x1] =	stream.indirect_vreg.gather [hbm4b:s1+s3], $0x80, v3, vm0, $0xb8;
	[tilespmem:$0x18200] =	vst v63  }
0x2a1: {  	s0 =	simm.s32 $0x6A00  }
0x2a2: {  	[tilespmem:s0], [sflag:$0x1] =	stream.indirect_vreg.gather [hbm4b:s4+s3], $0x80, v3, vm0, $0xb8;
	[tilespmem:$0x18200] =	vst v63  }
0x2a3: {  	s16 =	simm.s32 $0x7200  }
0x2a4: {  	[tilespmem:s16], [sflag:$0x1] =	stream.indirect_vreg.gather [hbm4b:s5+s3], $0x80, v3, vm0, $0xb8;
	[tilespmem:$0x18200] =	vst v63  }
0x2a5: {  	s18 =	simm.s32 $0x7A00  }
0x2a6: {  	[tilespmem:s18], [sflag:$0x1] =	stream.indirect_vreg.gather [hbm4b:s6+s3], $0x80, v3, vm0, $0xb8;
	[tilespmem:$0x18200] =	vst v63  }
0x2a7: {  	v3 =	vld [tilespmem:$0x1E0];
	_ =	sdelay $0x4  }
0x2a8: {  	v62 =	vshll.u32 v3, $0x3  }
0x2a9: {  	v3 =	vand.u32 $0x7, v3;
	v4 =	vand.u32 $0xFFFFFFC0, v62  }
0x2aa: {  	v3 =	vor.u32 v3, v4  }
0x2ab: {  	v4 =	vperm.xlane v3, v0;
	_ =	sdelay $0x1  }
0x2ac: {  	v4 =	vadd.s32 v1, v4;
	_ =	sdelay $0x3  }
0x2ad: {  	s19 =	simm.s32 $0x8200  }
0x2ae: {  	[tilespmem:s19], [sflag:$0x1] =	stream.indirect_vreg.gather [hbm4b:s1+s3], $0x80, v4, vm0, $0xb8;
	[tilespmem:$0x18200] =	vst v63  }
0x2af: {  	s26 =	simm.s32 $0x8A00;
	v3 =	vperm.xlane v3, v2  }
0x2b0: {  	[tilespmem:s26], [sflag:$0x1] =	stream.indirect_vreg.gather [hbm4b:s4+s3], $0x80, v4, vm0, $0xb8;
	[tilespmem:$0x18200] =	vst v63  }
0x2b1: {  	s28 =	simm.s32 $0x9200;
	v3 =	vadd.s32 v1, v3  }
0x2b2: {  	[tilespmem:s28], [sflag:$0x1] =	stream.indirect_vreg.gather [hbm4b:s5+s3], $0x80, v4, vm0, $0xb8;
	[tilespmem:$0x18200] =	vst v63  }
0x2b3: {  	s24 =	simm.s32 $0x9A00  }
0x2b4: {  	[tilespmem:s24], [sflag:$0x1] =	stream.indirect_vreg.gather [hbm4b:s6+s3], $0x80, v4, vm0, $0xb8;
	[tilespmem:$0x18200] =	vst v63  }
0x2b5: {  	s11 =	simm.s32 $0xA200  }
0x2b6: {  	[tilespmem:s11], [sflag:$0x1] =	stream.indirect_vreg.gather [hbm4b:s1+s3], $0x80, v3, vm0, $0xb8;
	[tilespmem:$0x18200] =	vst v63  }
0x2b7: {  	s12 =	simm.s32 $0xAA00  }
0x2b8: {  	[tilespmem:s12], [sflag:$0x1] =	stream.indirect_vreg.gather [hbm4b:s4+s3], $0x80, v3, vm0, $0xb8;
	[tilespmem:$0x18200] =	vst v63  }
0x2b9: {  	s13 =	simm.s32 $0xB200  }
0x2ba: {  	[tilespmem:s13], [sflag:$0x1] =	stream.indirect_vreg.gather [hbm4b:s5+s3], $0x80, v3, vm0, $0xb8;
	[tilespmem:$0x18200] =	vst v63  }
0x2bb: {  	s29 =	simm.s32 $0xBA00  }
0x2bc: {  	[tilespmem:s29], [sflag:$0x1] =	stream.indirect_vreg.gather [hbm4b:s6+s3], $0x80, v3, vm0, $0xb8;
	[tilespmem:$0x18200] =	vst v63  }
0x2bd: {  	v3 =	vld [tilespmem:$0x1F0];
	_ =	sdelay $0x4  }
0x2be: {  	v63 =	vshll.u32 v3, $0x3  }
0x2bf: {  	v3 =	vand.u32 $0x7, v3;
	v4 =	vand.u32 $0xFFFFFFC0, v63  }
0x2c0: {  	v3 =	vor.u32 v3, v4  }
0x2c1: {  	v4 =	vperm.xlane v3, v0;
	_ =	sdelay $0x1  }
0x2c2: {  	v4 =	vadd.s32 v1, v4;
	_ =	sdelay $0x3  }
0x2c3: {  	s14 =	simm.s32 $0xC200  }
0x2c4: {  	[tilespmem:s14], [sflag:$0x1] =	stream.indirect_vreg.gather [hbm4b:s1+s3], $0x80, v4, vm0, $0xb8;
	[tilespmem:$0x18200] =	vst v63  }
0x2c5: {  	s7 =	simm.s32 $0xCA00;
	v3 =	vperm.xlane v3, v2  }
0x2c6: {  	[tilespmem:s7], [sflag:$0x1] =	stream.indirect_vreg.gather [hbm4b:s4+s3], $0x80, v4, vm0, $0xb8;
	[tilespmem:$0x18200] =	vst v63  }
0x2c7: {  	s22 =	simm.s32 $0xD200;
	v3 =	vadd.s32 v1, v3  }
0x2c8: {  	[tilespmem:s22], [sflag:$0x1] =	stream.indirect_vreg.gather [hbm4b:s5+s3], $0x80, v4, vm0, $0xb8;
	[tilespmem:$0x18200] =	vst v63  }
0x2c9: {  	s10 =	simm.s32 $0xDA00  }
0x2ca: {  	[tilespmem:s10], [sflag:$0x1] =	stream.indirect_vreg.gather [hbm4b:s6+s3], $0x80, v4, vm0, $0xb8;
	[tilespmem:$0x18200] =	vst v63  }
0x2cb: {  	s20 =	simm.s32 $0xE200  }
0x2cc: {  	[tilespmem:s20], [sflag:$0x1] =	stream.indirect_vreg.gather [hbm4b:s1+s3], $0x80, v3, vm0, $0xb8;
	[tilespmem:$0x18200] =	vst v63  }
0x2cd: {  	s21 =	simm.s32 $0xEA00  }
0x2ce: {  	[tilespmem:s21], [sflag:$0x1] =	stream.indirect_vreg.gather [hbm4b:s4+s3], $0x80, v3, vm0, $0xb8;
	[tilespmem:$0x18200] =	vst v63  }
0x2cf: {  	s25 =	simm.s32 $0xF200  }
0x2d0: {  	[tilespmem:s25], [sflag:$0x1] =	stream.indirect_vreg.gather [hbm4b:s5+s3], $0x80, v3, vm0, $0xb8;
	[tilespmem:$0x18200] =	vst v63  }
0x2d1: {  	s23 =	simm.s32 $0xFA00  }
0x2d2: {  	[tilespmem:s23], [sflag:$0x1] =	stream.indirect_vreg.gather [hbm4b:s6+s3], $0x80, v3, vm0, $0xb8;
	[tilespmem:$0x18200] =	vst v63  }
0x2d3: {  	s16 =	rddreg [dreg:$0x7];
	_ =	swait.ge [sflag:s17], $0x10000  }
0x2d4: {  	[sflag:s17] =	ssyncset.done $0x0  }
0x2d5: {  	[sflag:s17] =	ssyncadd.s32 $0xFFFF0000  }
0x2d6: {  	_ =	swait.ge [sflag:s17], $0x10000  }
0x2d7: {  	[sflag:s17] =	ssyncset.done $0x0  }
0x2d8: {  	[sflag:s17] =	ssyncadd.s32 $0xFFFF0000  }
0x2d9: {  	_ =	swait.ge [sflag:s17], $0x10000  }
0x2da: {  	[sflag:s17] =	ssyncset.done $0x0  }
0x2db: {  	[sflag:s17] =	ssyncadd.s32 $0xFFFF0000  }
0x2dc: {  	_ =	swait.ge [sflag:s17], $0x10000  }
0x2dd: {  	[sflag:s17] =	ssyncset.done $0x0  }
0x2de: {  	[sflag:s17] =	ssyncadd.s32 $0xFFFF0000  }
0x2df: {  	_ =	swait.ge [sflag:s17], $0x10000  }
0x2e0: {  	[sflag:s17] =	ssyncset.done $0x0  }
0x2e1: {  	[sflag:s17] =	ssyncadd.s32 $0xFFFF0000  }
0x2e2: {  	_ =	swait.ge [sflag:s17], $0x10000  }
0x2e3: {  	[sflag:s17] =	ssyncset.done $0x0  }
0x2e4: {  	[sflag:s17] =	ssyncadd.s32 $0xFFFF0000  }
0x2e5: {  	_ =	swait.ge [sflag:s17], $0x10000  }
0x2e6: {  	[sflag:s17] =	ssyncset.done $0x0  }
0x2e7: {  	[sflag:s17] =	ssyncadd.s32 $0xFFFF0000  }
0x2e8: {  	s8 =	simm.s32 $0x200;
	_ =	swait.ge [sflag:s17], $0x10000  }
0x2e9: {  	s31 =	simm.s32 $0x2;
	p0 =	sne.s32 s16, $0x1;
	[sflag:s17] =	ssyncset.done $0x0  }
.Ltmp0:
0x2ea: {  	s30 =	rddreg [dreg:$0x5];
	[sflag:s17] =	ssyncadd.s32 $0xFFFF0000;
	(pc) =	sbr.rel @p0 .LBB2_1-.Ltmp0, $4  }
0x2eb: {  	[hbm4b:s30+s3] =	stream.linear.scatter [tilespmem:s8], [sflag:$0x2], $0x8000, $0x38;
	[tilespmem:$0x18200] =	vst v63  }
0x2ec: {  	_ =	swait.ge [sflag:s31], $0x8000  }
0x2ed: {  	[sflag:s31] =	ssyncset.done $0x0  }
0x2ee: {  	s2 =	sadd.s32 $0xFFFFFFFF, s16;
	[sflag:s31] =	ssyncadd.s32 $0xFFFF8000  }
0x2ef: {  	_ =	sfence.sel $0x180000  }
0x2f0: {  	[bflag:$0x0] =	sbarrier.arrive $0xFFFF  }
0x2f1: {  	_ =	strace $0x90000047  }
0x2f2: {  	s0 =	stileid.u32;
	[bflag:$0x2] =	sbarrier.arrive $0xFFFF  }
0x2f3: {  	p0 =	sne.s32 s0, $0x0;
	s0 =	rddreg [dreg:$0x3]  }
0x2f4: {  	s0 =	sadd.s32 @!p0 $0x100000, s0  }
0x2f5: {  	[sflag:s0] =	ssyncadd.tile.s32 @!p0 $0x1;
	_ =	shalt  }
.Lfunc_end2:
_tile_overlayer_lowered:
.L_overlay_start_2:
0x2f6: {  	(tag) =	ssettag $0x2  }
0x2f7: {  	s0 =	rddreg [dreg:$0x0];
	s2 =	stileid.u32  }
0x2f8: {  	s1 =	rddreg [dreg:$0x1];
	p0 =	sne.s32 s2, $0x0  }
0x2f9: {  	s3 =	rddreg [dreg:$0x2];
	[bflag:$0x3] =	sbarrier.arrive $0xFFFF;
	s2 =	simm.s32 @!p0 $0x1C03  }
0x2fa: {  	[timem:s3], [sflag:s2] =	dma.local @!p0 [hbm:s0], s1  }
0x2fb: {  	s0 =	simm.s32 @!p0 $0x3  }
0x2fc: {  	_ =	swait.ge @!p0 [sflag:s0], s1  }
0x2fd: {  	s1 =	ssub.s32 @!p0 $0x0, s1;
	[sflag:s0] =	ssyncset.done @!p0 $0x0  }
0x2fe: {  	[sflag:s0] =	ssyncadd.s32 @!p0 s1  }
0x2ff: {  	[bflag:$0x3] =	sbarrier.arrive $0xFFFF  }
0x300: {  	_ =	shalt  }

</sc_bundles>
